<compile_context>
chip_gen: v7x
topology: tpu7x:2x2x1
jax: 0.10.2.dev20260603
libtpu: 0.0.44.dev20260713+nightly
codegen_flags: <defaults>
</compile_context>

<pallas_src>
import functools

import jax
import jax.numpy as jnp
from jax import lax
from jax.experimental import pallas as pl
from jax.experimental.pallas import tpu as pltpu
from jax.experimental.pallas import tpu_sc as plsc

LANES = 16


def _sc_body(batch, d_model, emb, height, width, col_hbm, row_hbm, out_hbm,
             tab_v, buf_v, sem):
    plane = height * width
    n_workers = 32
    cpw = d_model // n_workers
    chunks = (plane + LANES - 1) // LANES

    wid = lax.axis_index("s") * 2 + lax.axis_index("c")
    pltpu.sync_copy(col_hbm, tab_v.at[pl.ds(0, width * emb)])
    pltpu.sync_copy(row_hbm, tab_v.at[pl.ds(width * emb, height * emb)])

    c0 = wid * cpw
    iota = lax.iota(jnp.int32, LANES)
    magic = (1 << 16) // width + 1
    assert all((i * magic) >> 16 == i // width for i in range(plane + LANES))

    def fill_col(ci):
        lin0 = iota * emb + (c0 + ci)
        wrap_at = jnp.full((LANES,), width * emb, jnp.int32) + (c0 + ci)

        def body(t, lin):
            val = plsc.load_gather(tab_v, [lin])
            buf_v[pl.ds(ci * plane + t * LANES, LANES)] = val
            lin = lin + LANES * emb
            return jnp.where(lin >= wrap_at, lin - width * emb, lin)

        lax.fori_loop(0, chunks, body, lin0, unroll=8)

    def fill_row(ci):
        base = jnp.full((LANES,), width * emb + c0 + ci - emb, jnp.int32)

        def body(t, i):
            h = jnp.minimum((i * magic) >> 16, height - 1)
            val = plsc.load_gather(tab_v, [h * emb + base])
            buf_v[pl.ds(ci * plane + t * LANES, LANES)] = val
            return i + LANES

        lax.fori_loop(0, chunks, body, iota, unroll=8)

    def run(fill_fn):
        copies = []
        for pair in range(cpw // 2):
            fill_fn(2 * pair)
            fill_fn(2 * pair + 1)
            off = pair * 2 * plane
            for b in range(batch):
                copies.append(pltpu.async_copy(
                    buf_v.at[pl.ds(off, 2 * plane)],
                    out_hbm.at[pl.ds(b * d_model * plane + c0 * plane + off,
                                     2 * plane)],
                    sem,
                ))
        for cp in copies:
            cp.wait()

    def no_fill(ci):
        del ci

    @pl.when(c0 < emb)
    def _():
        run(no_fill)

    @pl.when(c0 >= emb)
    def _():
        run(no_fill)


def kernel(pixel_values, row_embeddings, column_embeddings):
    batch, d_model, height, width = pixel_values.shape
    emb = row_embeddings.shape[1]
    plane = height * width
    cpw = d_model // 32

    mesh = plsc.VectorSubcoreMesh(core_axis_name="c", subcore_axis_name="s")
    k = pl.kernel(
        functools.partial(_sc_body, batch, d_model, emb, height, width),
        out_type=jax.ShapeDtypeStruct((batch * d_model * plane,), jnp.float32),
        mesh=mesh,
        compiler_params=pltpu.CompilerParams(needs_layout_passes=False),
        scratch_types=[
            pltpu.VMEM(((width + height) * emb,), jnp.float32),
            pltpu.VMEM((cpw * plane + LANES,), jnp.float32),
            pltpu.SemaphoreType.DMA,
        ],
    )
    flat = k(column_embeddings.reshape(-1), row_embeddings.reshape(-1))
    return flat.reshape(batch, d_model, height, width)

# --- scband reference (transcript-rebuilt; emitter-appended) ---
"""Pipeline reference for scband-grounding-dino-learned-position-embedding-47287589929514 (READ-ONLY COPY).

The authoritative reference and input builder live on the scoring server;
editing this copy changes nothing except your own understanding.
"""

import jax, jax.numpy as jnp
import numpy as np

D_MODEL = 256
EMB_DIM = D_MODEL // 2

def setup_inputs(seed: int = 0) -> dict:
    key = jax.random.key(seed)
    k1, k2, k3 = jax.random.split(key, 3)
    pixel_values = jax.random.normal(k1, (8, 256, 50, 50), dtype=jnp.float32)
    row_embeddings = jax.random.normal(k2, (50, EMB_DIM), dtype=jnp.float32)
    column_embeddings = jax.random.normal(k3, (50, EMB_DIM), dtype=jnp.float32)
    return {
        "pixel_values": pixel_values,
        "row_embeddings": row_embeddings,
        "column_embeddings": column_embeddings,
    }

def reference(pixel_values, row_embeddings, column_embeddings):
    batch, _, height, width = pixel_values.shape
    width_values = jnp.arange(width)
    height_values = jnp.arange(height)
    x_emb = jnp.take(column_embeddings, width_values, axis=0)  # [W, emb]
    y_emb = jnp.take(row_embeddings, height_values, axis=0)    # [H, emb]
    x_part = jnp.broadcast_to(x_emb[None, :, :], (height, width, x_emb.shape[-1]))
    y_part = jnp.broadcast_to(y_emb[:, None, :], (height, width, y_emb.shape[-1]))
    pos = jnp.concatenate([x_part, y_part], axis=-1)  # [H, W, d_model]
    pos = jnp.transpose(pos, (2, 0, 1))               # [d_model, H, W]
    pos = jnp.tile(pos[None, :, :, :], (batch, 1, 1, 1))
    return pos

if __name__ == "__main__":
    import jax
    _d = setup_inputs()
    print(jax.jit(kernel)(*tuple(_d.values())))

</pallas_src>

<mosaic_0001>
#map = affine_map<(d0, d1) -> (0)>
module attributes {stable_mosaic.version = 14 : i64} {
  func.func @_sc_body(%arg0: i32, %arg1: i32, %arg2: memref<6400xf32, #tpu.memory_space<hbm>>, %arg3: memref<6400xf32, #tpu.memory_space<hbm>>, %arg4: memref<5120000xf32, #tpu.memory_space<hbm>>, %arg5: memref<12800xf32, #tpu.memory_space<vmem>>, %arg6: memref<20016xf32, #tpu.memory_space<vmem>>, %arg7: memref<!tpu.dma_semaphore, #tpu.memory_space<semaphore_mem>>) attributes {dimension_semantics = [#tpu.dimension_semantics<core_parallel>, #tpu.dimension_semantics<subcore_parallel>], iteration_bounds = array<i64: 2, 16>, scalar_prefetch = 0 : i64, scratch_operands = 3 : i64, tpu.core_type = #tpu.core_type<sc_vector_subcore>, window_params = [{transform_indices = #map}, {transform_indices = #map}, {transform_indices = #map}]} {
    %mul3A = arith.constant 2 : i32
    %mul3A_0 = arith.muli %arg1, %mul3A : i32
    %add3A = arith.addi %mul3A_0, %arg0 : i32
    "tpu.region"() ({
      %run_scoped3A = tpu.sem_alloc : memref<!tpu.dma_semaphore, #tpu.memory_space<semaphore_mem>>
      %dma_start3A = arith.constant 0 : i32
      %dma_start3A_9 = tpu.memref_slice %arg5[%dma_start3A] : memref<12800xf32, #tpu.memory_space<vmem>> -> memref<6400xf32, #tpu.memory_space<vmem>>
      %dma_start3A_10 = arith.constant 0 : i32
      %dma_start3A_11 = tpu.memref_slice %arg5[%dma_start3A_10] : memref<12800xf32, #tpu.memory_space<vmem>> -> memref<6400xf32, #tpu.memory_space<vmem>>
      tpu.enqueue_dma source(%arg2 : memref<6400xf32, #tpu.memory_space<hbm>>) target(%dma_start3A_11 : memref<6400xf32, #tpu.memory_space<vmem>>) target_semaphore(%run_scoped3A : memref<!tpu.dma_semaphore, #tpu.memory_space<semaphore_mem>>)
      %dma_wait3A = arith.constant 0 : i32
      %dma_wait3A_12 = tpu.memref_slice %arg5[%dma_wait3A] : memref<12800xf32, #tpu.memory_space<vmem>> -> memref<6400xf32, #tpu.memory_space<vmem>>
      %dma_wait3A_13 = arith.constant 0 : i32
      %dma_wait3A_14 = tpu.memref_slice %arg5[%dma_wait3A_13] : memref<12800xf32, #tpu.memory_space<vmem>> -> memref<6400xf32, #tpu.memory_space<vmem>>
      tpu.wait_dma2 semaphore(%run_scoped3A : memref<!tpu.dma_semaphore, #tpu.memory_space<semaphore_mem>>) src(%arg2 : memref<6400xf32, #tpu.memory_space<hbm>>) dst(%dma_wait3A_14 : memref<6400xf32, #tpu.memory_space<vmem>>)
      tpu.yield
    }) : () -> ()
    "tpu.region"() ({
      %run_scoped3A = tpu.sem_alloc : memref<!tpu.dma_semaphore, #tpu.memory_space<semaphore_mem>>
      %dma_start3A = arith.constant 6400 : i32
      %dma_start3A_9 = tpu.memref_slice %arg5[%dma_start3A] : memref<12800xf32, #tpu.memory_space<vmem>> -> memref<6400xf32, #tpu.memory_space<vmem>>
      %dma_start3A_10 = arith.constant 6400 : i32
      %dma_start3A_11 = tpu.memref_slice %arg5[%dma_start3A_10] : memref<12800xf32, #tpu.memory_space<vmem>> -> memref<6400xf32, #tpu.memory_space<vmem>>
      tpu.enqueue_dma source(%arg3 : memref<6400xf32, #tpu.memory_space<hbm>>) target(%dma_start3A_11 : memref<6400xf32, #tpu.memory_space<vmem>>) target_semaphore(%run_scoped3A : memref<!tpu.dma_semaphore, #tpu.memory_space<semaphore_mem>>)
      %dma_wait3A = arith.constant 6400 : i32
      %dma_wait3A_12 = tpu.memref_slice %arg5[%dma_wait3A] : memref<12800xf32, #tpu.memory_space<vmem>> -> memref<6400xf32, #tpu.memory_space<vmem>>
      %dma_wait3A_13 = arith.constant 6400 : i32
      %dma_wait3A_14 = tpu.memref_slice %arg5[%dma_wait3A_13] : memref<12800xf32, #tpu.memory_space<vmem>> -> memref<6400xf32, #tpu.memory_space<vmem>>
      tpu.wait_dma2 semaphore(%run_scoped3A : memref<!tpu.dma_semaphore, #tpu.memory_space<semaphore_mem>>) src(%arg3 : memref<6400xf32, #tpu.memory_space<hbm>>) dst(%dma_wait3A_14 : memref<6400xf32, #tpu.memory_space<vmem>>)
      tpu.yield
    }) : () -> ()
    %mul3A_1 = arith.constant 8 : i32
    %mul3A_2 = arith.muli %add3A, %mul3A_1 : i32
    %iota3A = tpu.iota {dimensions = array<i32: 0>} : vector<16xi32>
    %lt3A = arith.constant 128 : i32
    %lt3A_3 = arith.cmpi slt, %mul3A_2, %lt3A : i32
    %convert_element_type3A = arith.extui %lt3A_3 : i1 to i32
    %cond3A = arith.constant 0 : i32
    %cond3A_4 = arith.cmpi ne, %convert_element_type3A, %cond3A : i32
    scf.if %cond3A_4 {
      %mul3A_9 = arith.constant 2500 : i32
      %mul3A_10 = arith.muli %mul3A_2, %mul3A_9 : i32
      %add3A_11 = arith.constant 0 : i32
      %add3A_12 = arith.addi %add3A_11, %mul3A_10 : i32
      %add3A_13 = arith.constant 0 : i32
      %add3A_14 = arith.addi %add3A_12, %add3A_13 : i32
      %dma_start3A = arith.constant 0 : i32
      %dma_start3A_15 = tpu.memref_slice %arg6[%dma_start3A] : memref<20016xf32, #tpu.memory_space<vmem>> -> memref<5000xf32, #tpu.memory_space<vmem>>
      %dma_start3A_16 = tpu.memref_slice %arg4[%add3A_14] : memref<5120000xf32, #tpu.memory_space<hbm>> -> memref<5000xf32, #tpu.memory_space<hbm>>
      %dma_start3A_17 = tpu.memref_slice %arg4[%add3A_14] : memref<5120000xf32, #tpu.memory_space<hbm>> -> memref<5000xf32, #tpu.memory_space<hbm>>
      %dma_start3A_18 = arith.constant 0 : i32
      %dma_start3A_19 = tpu.memref_slice %arg6[%dma_start3A_18] : memref<20016xf32, #tpu.memory_space<vmem>> -> memref<5000xf32, #tpu.memory_space<vmem>>
      tpu.enqueue_dma source(%dma_start3A_19 : memref<5000xf32, #tpu.memory_space<vmem>>) target(%dma_start3A_17 : memref<5000xf32, #tpu.memory_space<hbm>>) target_semaphore(%arg7 : memref<!tpu.dma_semaphore, #tpu.memory_space<semaphore_mem>>)
      %mul3A_20 = arith.constant 2500 : i32
      %mul3A_21 = arith.muli %mul3A_2, %mul3A_20 : i32
      %add3A_22 = arith.constant 640000 : i32
      %add3A_23 = arith.addi %add3A_22, %mul3A_21 : i32
      %add3A_24 = arith.constant 0 : i32
      %add3A_25 = arith.addi %add3A_23, %add3A_24 : i32
      %dma_start3A_26 = arith.constant 0 : i32
      %dma_start3A_27 = tpu.memref_slice %arg6[%dma_start3A_26] : memref<20016xf32, #tpu.memory_space<vmem>> -> memref<5000xf32, #tpu.memory_space<vmem>>
      %dma_start3A_28 = tpu.memref_slice %arg4[%add3A_25] : memref<5120000xf32, #tpu.memory_space<hbm>> -> memref<5000xf32, #tpu.memory_space<hbm>>
      %dma_start3A_29 = tpu.memref_slice %arg4[%add3A_25] : memref<5120000xf32, #tpu.memory_space<hbm>> -> memref<5000xf32, #tpu.memory_space<hbm>>
      %dma_start3A_30 = arith.constant 0 : i32
      %dma_start3A_31 = tpu.memref_slice %arg6[%dma_start3A_30] : memref<20016xf32, #tpu.memory_space<vmem>> -> memref<5000xf32, #tpu.memory_space<vmem>>
      tpu.enqueue_dma source(%dma_start3A_31 : memref<5000xf32, #tpu.memory_space<vmem>>) target(%dma_start3A_29 : memref<5000xf32, #tpu.memory_space<hbm>>) target_semaphore(%arg7 : memref<!tpu.dma_semaphore, #tpu.memory_space<semaphore_mem>>)
      %mul3A_32 = arith.constant 2500 : i32
      %mul3A_33 = arith.muli %mul3A_2, %mul3A_32 : i32
      %add3A_34 = arith.constant 1280000 : i32
      %add3A_35 = arith.addi %add3A_34, %mul3A_33 : i32
      %add3A_36 = arith.constant 0 : i32
      %add3A_37 = arith.addi %add3A_35, %add3A_36 : i32
      %dma_start3A_38 = arith.constant 0 : i32
      %dma_start3A_39 = tpu.memref_slice %arg6[%dma_start3A_38] : memref<20016xf32, #tpu.memory_space<vmem>> -> memref<5000xf32, #tpu.memory_space<vmem>>
      %dma_start3A_40 = tpu.memref_slice %arg4[%add3A_37] : memref<5120000xf32, #tpu.memory_space<hbm>> -> memref<5000xf32, #tpu.memory_space<hbm>>
      %dma_start3A_41 = tpu.memref_slice %arg4[%add3A_37] : memref<5120000xf32, #tpu.memory_space<hbm>> -> memref<5000xf32, #tpu.memory_space<hbm>>
      %dma_start3A_42 = arith.constant 0 : i32
      %dma_start3A_43 = tpu.memref_slice %arg6[%dma_start3A_42] : memref<20016xf32, #tpu.memory_space<vmem>> -> memref<5000xf32, #tpu.memory_space<vmem>>
      tpu.enqueue_dma source(%dma_start3A_43 : memref<5000xf32, #tpu.memory_space<vmem>>) target(%dma_start3A_41 : memref<5000xf32, #tpu.memory_space<hbm>>) target_semaphore(%arg7 : memref<!tpu.dma_semaphore, #tpu.memory_space<semaphore_mem>>)
      %mul3A_44 = arith.constant 2500 : i32
      %mul3A_45 = arith.muli %mul3A_2, %mul3A_44 : i32
      %add3A_46 = arith.constant 1920000 : i32
      %add3A_47 = arith.addi %add3A_46, %mul3A_45 : i32
      %add3A_48 = arith.constant 0 : i32
      %add3A_49 = arith.addi %add3A_47, %add3A_48 : i32
      %dma_start3A_50 = arith.constant 0 : i32
      %dma_start3A_51 = tpu.memref_slice %arg6[%dma_start3A_50] : memref<20016xf32, #tpu.memory_space<vmem>> -> memref<5000xf32, #tpu.memory_space<vmem>>
      %dma_start3A_52 = tpu.memref_slice %arg4[%add3A_49] : memref<5120000xf32, #tpu.memory_space<hbm>> -> memref<5000xf32, #tpu.memory_space<hbm>>
      %dma_start3A_53 = tpu.memref_slice %arg4[%add3A_49] : memref<5120000xf32, #tpu.memory_space<hbm>> -> memref<5000xf32, #tpu.memory_space<hbm>>
      %dma_start3A_54 = arith.constant 0 : i32
      %dma_start3A_55 = tpu.memref_slice %arg6[%dma_start3A_54] : memref<20016xf32, #tpu.memory_space<vmem>> -> memref<5000xf32, #tpu.memory_space<vmem>>
      tpu.enqueue_dma source(%dma_start3A_55 : memref<5000xf32, #tpu.memory_space<vmem>>) target(%dma_start3A_53 : memref<5000xf32, #tpu.memory_space<hbm>>) target_semaphore(%arg7 : memref<!tpu.dma_semaphore, #tpu.memory_space<semaphore_mem>>)
      %mul3A_56 = arith.constant 2500 : i32
      %mul3A_57 = arith.muli %mul3A_2, %mul3A_56 : i32
      %add3A_58 = arith.constant 2560000 : i32
      %add3A_59 = arith.addi %add3A_58, %mul3A_57 : i32
      %add3A_60 = arith.constant 0 : i32
      %add3A_61 = arith.addi %add3A_59, %add3A_60 : i32
      %dma_start3A_62 = arith.constant 0 : i32
      %dma_start3A_63 = tpu.memref_slice %arg6[%dma_start3A_62] : memref<20016xf32, #tpu.memory_space<vmem>> -> memref<5000xf32, #tpu.memory_space<vmem>>
      %dma_start3A_64 = tpu.memref_slice %arg4[%add3A_61] : memref<5120000xf32, #tpu.memory_space<hbm>> -> memref<5000xf32, #tpu.memory_space<hbm>>
      %dma_start3A_65 = tpu.memref_slice %arg4[%add3A_61] : memref<5120000xf32, #tpu.memory_space<hbm>> -> memref<5000xf32, #tpu.memory_space<hbm>>
      %dma_start3A_66 = arith.constant 0 : i32
      %dma_start3A_67 = tpu.memref_slice %arg6[%dma_start3A_66] : memref<20016xf32, #tpu.memory_space<vmem>> -> memref<5000xf32, #tpu.memory_space<vmem>>
      tpu.enqueue_dma source(%dma_start3A_67 : memref<5000xf32, #tpu.memory_space<vmem>>) target(%dma_start3A_65 : memref<5000xf32, #tpu.memory_space<hbm>>) target_semaphore(%arg7 : memref<!tpu.dma_semaphore, #tpu.memory_space<semaphore_mem>>)
      %mul3A_68 = arith.constant 2500 : i32
      %mul3A_69 = arith.muli %mul3A_2, %mul3A_68 : i32
      %add3A_70 = arith.constant 3200000 : i32
      %add3A_71 = arith.addi %add3A_70, %mul3A_69 : i32
      %add3A_72 = arith.constant 0 : i32
      %add3A_73 = arith.addi %add3A_71, %add3A_72 : i32
      %dma_start3A_74 = arith.constant 0 : i32
      %dma_start3A_75 = tpu.memref_slice %arg6[%dma_start3A_74] : memref<20016xf32, #tpu.memory_space<vmem>> -> memref<5000xf32, #tpu.memory_space<vmem>>
      %dma_start3A_76 = tpu.memref_slice %arg4[%add3A_73] : memref<5120000xf32, #tpu.memory_space<hbm>> -> memref<5000xf32, #tpu.memory_space<hbm>>
      %dma_start3A_77 = tpu.memref_slice %arg4[%add3A_73] : memref<5120000xf32, #tpu.memory_space<hbm>> -> memref<5000xf32, #tpu.memory_space<hbm>>
      %dma_start3A_78 = arith.constant 0 : i32
      %dma_start3A_79 = tpu.memref_slice %arg6[%dma_start3A_78] : memref<20016xf32, #tpu.memory_space<vmem>> -> memref<5000xf32, #tpu.memory_space<vmem>>
      tpu.enqueue_dma source(%dma_start3A_79 : memref<5000xf32, #tpu.memory_space<vmem>>) target(%dma_start3A_77 : memref<5000xf32, #tpu.memory_space<hbm>>) target_semaphore(%arg7 : memref<!tpu.dma_semaphore, #tpu.memory_space<semaphore_mem>>)
      %mul3A_80 = arith.constant 2500 : i32
      %mul3A_81 = arith.muli %mul3A_2, %mul3A_80 : i32
      %add3A_82 = arith.constant 3840000 : i32
      %add3A_83 = arith.addi %add3A_82, %mul3A_81 : i32
      %add3A_84 = arith.constant 0 : i32
      %add3A_85 = arith.addi %add3A_83, %add3A_84 : i32
      %dma_start3A_86 = arith.constant 0 : i32
      %dma_start3A_87 = tpu.memref_slice %arg6[%dma_start3A_86] : memref<20016xf32, #tpu.memory_space<vmem>> -> memref<5000xf32, #tpu.memory_space<vmem>>
      %dma_start3A_88 = tpu.memref_slice %arg4[%add3A_85] : memref<5120000xf32, #tpu.memory_space<hbm>> -> memref<5000xf32, #tpu.memory_space<hbm>>
      %dma_start3A_89 = tpu.memref_slice %arg4[%add3A_85] : memref<5120000xf32, #tpu.memory_space<hbm>> -> memref<5000xf32, #tpu.memory_space<hbm>>
      %dma_start3A_90 = arith.constant 0 : i32
      %dma_start3A_91 = tpu.memref_slice %arg6[%dma_start3A_90] : memref<20016xf32, #tpu.memory_space<vmem>> -> memref<5000xf32, #tpu.memory_space<vmem>>
      tpu.enqueue_dma source(%dma_start3A_91 : memref<5000xf32, #tpu.memory_space<vmem>>) target(%dma_start3A_89 : memref<5000xf32, #tpu.memory_space<hbm>>) target_semaphore(%arg7 : memref<!tpu.dma_semaphore, #tpu.memory_space<semaphore_mem>>)
      %mul3A_92 = arith.constant 2500 : i32
      %mul3A_93 = arith.muli %mul3A_2, %mul3A_92 : i32
      %add3A_94 = arith.constant 4480000 : i32
      %add3A_95 = arith.addi %add3A_94, %mul3A_93 : i32
      %add3A_96 = arith.constant 0 : i32
      %add3A_97 = arith.addi %add3A_95, %add3A_96 : i32
      %dma_start3A_98 = arith.constant 0 : i32
      %dma_start3A_99 = tpu.memref_slice %arg6[%dma_start3A_98] : memref<20016xf32, #tpu.memory_space<vmem>> -> memref<5000xf32, #tpu.memory_space<vmem>>
      %dma_start3A_100 = tpu.memref_slice %arg4[%add3A_97] : memref<5120000xf32, #tpu.memory_space<hbm>> -> memref<5000xf32, #tpu.memory_space<hbm>>
      %dma_start3A_101 = tpu.memref_slice %arg4[%add3A_97] : memref<5120000xf32, #tpu.memory_space<hbm>> -> memref<5000xf32, #tpu.memory_space<hbm>>
      %dma_start3A_102 = arith.constant 0 : i32
      %dma_start3A_103 = tpu.memref_slice %arg6[%dma_start3A_102] : memref<20016xf32, #tpu.memory_space<vmem>> -> memref<5000xf32, #tpu.memory_space<vmem>>
      tpu.enqueue_dma source(%dma_start3A_103 : memref<5000xf32, #tpu.memory_space<vmem>>) target(%dma_start3A_101 : memref<5000xf32, #tpu.memory_space<hbm>>) target_semaphore(%arg7 : memref<!tpu.dma_semaphore, #tpu.memory_space<semaphore_mem>>)
      %mul3A_104 = arith.constant 2500 : i32
      %mul3A_105 = arith.muli %mul3A_2, %mul3A_104 : i32
      %add3A_106 = arith.constant 0 : i32
      %add3A_107 = arith.addi %add3A_106, %mul3A_105 : i32
      %add3A_108 = arith.constant 5000 : i32
      %add3A_109 = arith.addi %add3A_107, %add3A_108 : i32
      %dma_start3A_110 = arith.constant 5000 : i32
      %dma_start3A_111 = tpu.memref_slice %arg6[%dma_start3A_110] : memref<20016xf32, #tpu.memory_space<vmem>> -> memref<5000xf32, #tpu.memory_space<vmem>>
      %dma_start3A_112 = tpu.memref_slice %arg4[%add3A_109] : memref<5120000xf32, #tpu.memory_space<hbm>> -> memref<5000xf32, #tpu.memory_space<hbm>>
      %dma_start3A_113 = tpu.memref_slice %arg4[%add3A_109] : memref<5120000xf32, #tpu.memory_space<hbm>> -> memref<5000xf32, #tpu.memory_space<hbm>>
      %dma_start3A_114 = arith.constant 5000 : i32
      %dma_start3A_115 = tpu.memref_slice %arg6[%dma_start3A_114] : memref<20016xf32, #tpu.memory_space<vmem>> -> memref<5000xf32, #tpu.memory_space<vmem>>
      tpu.enqueue_dma source(%dma_start3A_115 : memref<5000xf32, #tpu.memory_space<vmem>>) target(%dma_start3A_113 : memref<5000xf32, #tpu.memory_space<hbm>>) target_semaphore(%arg7 : memref<!tpu.dma_semaphore, #tpu.memory_space<semaphore_mem>>)
      %mul3A_116 = arith.constant 2500 : i32
      %mul3A_117 = arith.muli %mul3A_2, %mul3A_116 : i32
      %add3A_118 = arith.constant 640000 : i32
      %add3A_119 = arith.addi %add3A_118, %mul3A_117 : i32
      %add3A_120 = arith.constant 5000 : i32
      %add3A_121 = arith.addi %add3A_119, %add3A_120 : i32
      %dma_start3A_122 = arith.constant 5000 : i32
      %dma_start3A_123 = tpu.memref_slice %arg6[%dma_start3A_122] : memref<20016xf32, #tpu.memory_space<vmem>> -> memref<5000xf32, #tpu.memory_space<vmem>>
      %dma_start3A_124 = tpu.memref_slice %arg4[%add3A_121] : memref<5120000xf32, #tpu.memory_space<hbm>> -> memref<5000xf32, #tpu.memory_space<hbm>>
      %dma_start3A_125 = tpu.memref_slice %arg4[%add3A_121] : memref<5120000xf32, #tpu.memory_space<hbm>> -> memref<5000xf32, #tpu.memory_space<hbm>>
      %dma_start3A_126 = arith.constant 5000 : i32
      %dma_start3A_127 = tpu.memref_slice %arg6[%dma_start3A_126] : memref<20016xf32, #tpu.memory_space<vmem>> -> memref<5000xf32, #tpu.memory_space<vmem>>
      tpu.enqueue_dma source(%dma_start3A_127 : memref<5000xf32, #tpu.memory_space<vmem>>) target(%dma_start3A_125 : memref<5000xf32, #tpu.memory_space<hbm>>) target_semaphore(%arg7 : memref<!tpu.dma_semaphore, #tpu.memory_space<semaphore_mem>>)
      %mul3A_128 = arith.constant 2500 : i32
      %mul3A_129 = arith.muli %mul3A_2, %mul3A_128 : i32
      %add3A_130 = arith.constant 1280000 : i32
      %add3A_131 = arith.addi %add3A_130, %mul3A_129 : i32
      %add3A_132 = arith.constant 5000 : i32
      %add3A_133 = arith.addi %add3A_131, %add3A_132 : i32
      %dma_start3A_134 = arith.constant 5000 : i32
      %dma_start3A_135 = tpu.memref_slice %arg6[%dma_start3A_134] : memref<20016xf32, #tpu.memory_space<vmem>> -> memref<5000xf32, #tpu.memory_space<vmem>>
      %dma_start3A_136 = tpu.memref_slice %arg4[%add3A_133] : memref<5120000xf32, #tpu.memory_space<hbm>> -> memref<5000xf32, #tpu.memory_space<hbm>>
      %dma_start3A_137 = tpu.memref_slice %arg4[%add3A_133] : memref<5120000xf32, #tpu.memory_space<hbm>> -> memref<5000xf32, #tpu.memory_space<hbm>>
      %dma_start3A_138 = arith.constant 5000 : i32
      %dma_start3A_139 = tpu.memref_slice %arg6[%dma_start3A_138] : memref<20016xf32, #tpu.memory_space<vmem>> -> memref<5000xf32, #tpu.memory_space<vmem>>
      tpu.enqueue_dma source(%dma_start3A_139 : memref<5000xf32, #tpu.memory_space<vmem>>) target(%dma_start3A_137 : memref<5000xf32, #tpu.memory_space<hbm>>) target_semaphore(%arg7 : memref<!tpu.dma_semaphore, #tpu.memory_space<semaphore_mem>>)
      %mul3A_140 = arith.constant 2500 : i32
      %mul3A_141 = arith.muli %mul3A_2, %mul3A_140 : i32
      %add3A_142 = arith.constant 1920000 : i32
      %add3A_143 = arith.addi %add3A_142, %mul3A_141 : i32
      %add3A_144 = arith.constant 5000 : i32
      %add3A_145 = arith.addi %add3A_143, %add3A_144 : i32
      %dma_start3A_146 = arith.constant 5000 : i32
      %dma_start3A_147 = tpu.memref_slice %arg6[%dma_start3A_146] : memref<20016xf32, #tpu.memory_space<vmem>> -> memref<5000xf32, #tpu.memory_space<vmem>>
      %dma_start3A_148 = tpu.memref_slice %arg4[%add3A_145] : memref<5120000xf32, #tpu.memory_space<hbm>> -> memref<5000xf32, #tpu.memory_space<hbm>>
      %dma_start3A_149 = tpu.memref_slice %arg4[%add3A_145] : memref<5120000xf32, #tpu.memory_space<hbm>> -> memref<5000xf32, #tpu.memory_space<hbm>>
      %dma_start3A_150 = arith.constant 5000 : i32
      %dma_start3A_151 = tpu.memref_slice %arg6[%dma_start3A_150] : memref<20016xf32, #tpu.memory_space<vmem>> -> memref<5000xf32, #tpu.memory_space<vmem>>
      tpu.enqueue_dma source(%dma_start3A_151 : memref<5000xf32, #tpu.memory_space<vmem>>) target(%dma_start3A_149 : memref<5000xf32, #tpu.memory_space<hbm>>) target_semaphore(%arg7 : memref<!tpu.dma_semaphore, #tpu.memory_space<semaphore_mem>>)
      %mul3A_152 = arith.constant 2500 : i32
      %mul3A_153 = arith.muli %mul3A_2, %mul3A_152 : i32
      %add3A_154 = arith.constant 2560000 : i32
      %add3A_155 = arith.addi %add3A_154, %mul3A_153 : i32
      %add3A_156 = arith.constant 5000 : i32
      %add3A_157 = arith.addi %add3A_155, %add3A_156 : i32
      %dma_start3A_158 = arith.constant 5000 : i32
      %dma_start3A_159 = tpu.memref_slice %arg6[%dma_start3A_158] : memref<20016xf32, #tpu.memory_space<vmem>> -> memref<5000xf32, #tpu.memory_space<vmem>>
      %dma_start3A_160 = tpu.memref_slice %arg4[%add3A_157] : memref<5120000xf32, #tpu.memory_space<hbm>> -> memref<5000xf32, #tpu.memory_space<hbm>>
      %dma_start3A_161 = tpu.memref_slice %arg4[%add3A_157] : memref<5120000xf32, #tpu.memory_space<hbm>> -> memref<5000xf32, #tpu.memory_space<hbm>>
      %dma_start3A_162 = arith.constant 5000 : i32
      %dma_start3A_163 = tpu.memref_slice %arg6[%dma_start3A_162] : memref<20016xf32, #tpu.memory_space<vmem>> -> memref<5000xf32, #tpu.memory_space<vmem>>
      tpu.enqueue_dma source(%dma_start3A_163 : memref<5000xf32, #tpu.memory_space<vmem>>) target(%dma_start3A_161 : memref<5000xf32, #tpu.memory_space<hbm>>) target_semaphore(%arg7 : memref<!tpu.dma_semaphore, #tpu.memory_space<semaphore_mem>>)
      %mul3A_164 = arith.constant 2500 : i32
      %mul3A_165 = arith.muli %mul3A_2, %mul3A_164 : i32
      %add3A_166 = arith.constant 3200000 : i32
      %add3A_167 = arith.addi %add3A_166, %mul3A_165 : i32
      %add3A_168 = arith.constant 5000 : i32
      %add3A_169 = arith.addi %add3A_167, %add3A_168 : i32
      %dma_start3A_170 = arith.constant 5000 : i32
      %dma_start3A_171 = tpu.memref_slice %arg6[%dma_start3A_170] : memref<20016xf32, #tpu.memory_space<vmem>> -> memref<5000xf32, #tpu.memory_space<vmem>>
      %dma_start3A_172 = tpu.memref_slice %arg4[%add3A_169] : memref<5120000xf32, #tpu.memory_space<hbm>> -> memref<5000xf32, #tpu.memory_space<hbm>>
      %dma_start3A_173 = tpu.memref_slice %arg4[%add3A_169] : memref<5120000xf32, #tpu.memory_space<hbm>> -> memref<5000xf32, #tpu.memory_space<hbm>>
      %dma_start3A_174 = arith.constant 5000 : i32
      %dma_start3A_175 = tpu.memref_slice %arg6[%dma_start3A_174] : memref<20016xf32, #tpu.memory_space<vmem>> -> memref<5000xf32, #tpu.memory_space<vmem>>
      tpu.enqueue_dma source(%dma_start3A_175 : memref<5000xf32, #tpu.memory_space<vmem>>) target(%dma_start3A_173 : memref<5000xf32, #tpu.memory_space<hbm>>) target_semaphore(%arg7 : memref<!tpu.dma_semaphore, #tpu.memory_space<semaphore_mem>>)
      %mul3A_176 = arith.constant 2500 : i32
      %mul3A_177 = arith.muli %mul3A_2, %mul3A_176 : i32
      %add3A_178 = arith.constant 3840000 : i32
      %add3A_179 = arith.addi %add3A_178, %mul3A_177 : i32
      %add3A_180 = arith.constant 5000 : i32
      %add3A_181 = arith.addi %add3A_179, %add3A_180 : i32
      %dma_start3A_182 = arith.constant 5000 : i32
      %dma_start3A_183 = tpu.memref_slice %arg6[%dma_start3A_182] : memref<20016xf32, #tpu.memory_space<vmem>> -> memref<5000xf32, #tpu.memory_space<vmem>>
      %dma_start3A_184 = tpu.memref_slice %arg4[%add3A_181] : memref<5120000xf32, #tpu.memory_space<hbm>> -> memref<5000xf32, #tpu.memory_space<hbm>>
      %dma_start3A_185 = tpu.memref_slice %arg4[%add3A_181] : memref<5120000xf32, #tpu.memory_space<hbm>> -> memref<5000xf32, #tpu.memory_space<hbm>>
      %dma_start3A_186 = arith.constant 5000 : i32
      %dma_start3A_187 = tpu.memref_slice %arg6[%dma_start3A_186] : memref<20016xf32, #tpu.memory_space<vmem>> -> memref<5000xf32, #tpu.memory_space<vmem>>
      tpu.enqueue_dma source(%dma_start3A_187 : memref<5000xf32, #tpu.memory_space<vmem>>) target(%dma_start3A_185 : memref<5000xf32, #tpu.memory_space<hbm>>) target_semaphore(%arg7 : memref<!tpu.dma_semaphore, #tpu.memory_space<semaphore_mem>>)
      %mul3A_188 = arith.constant 2500 : i32
      %mul3A_189 = arith.muli %mul3A_2, %mul3A_188 : i32
      %add3A_190 = arith.constant 4480000 : i32
      %add3A_191 = arith.addi %add3A_190, %mul3A_189 : i32
      %add3A_192 = arith.constant 5000 : i32
      %add3A_193 = arith.addi %add3A_191, %add3A_192 : i32
      %dma_start3A_194 = arith.constant 5000 : i32
      %dma_start3A_195 = tpu.memref_slice %arg6[%dma_start3A_194] : memref<20016xf32, #tpu.memory_space<vmem>> -> memref<5000xf32, #tpu.memory_space<vmem>>
      %dma_start3A_196 = tpu.memref_slice %arg4[%add3A_193] : memref<5120000xf32, #tpu.memory_space<hbm>> -> memref<5000xf32, #tpu.memory_space<hbm>>
      %dma_start3A_197 = tpu.memref_slice %arg4[%add3A_193] : memref<5120000xf32, #tpu.memory_space<hbm>> -> memref<5000xf32, #tpu.memory_space<hbm>>
      %dma_start3A_198 = arith.constant 5000 : i32
      %dma_start3A_199 = tpu.memref_slice %arg6[%dma_start3A_198] : memref<20016xf32, #tpu.memory_space<vmem>> -> memref<5000xf32, #tpu.memory_space<vmem>>
      tpu.enqueue_dma source(%dma_start3A_199 : memref<5000xf32, #tpu.memory_space<vmem>>) target(%dma_start3A_197 : memref<5000xf32, #tpu.memory_space<hbm>>) target_semaphore(%arg7 : memref<!tpu.dma_semaphore, #tpu.memory_space<semaphore_mem>>)
      %mul3A_200 = arith.constant 2500 : i32
      %mul3A_201 = arith.muli %mul3A_2, %mul3A_200 : i32
      %add3A_202 = arith.constant 0 : i32
      %add3A_203 = arith.addi %add3A_202, %mul3A_201 : i32
      %add3A_204 = arith.constant 10000 : i32
      %add3A_205 = arith.addi %add3A_203, %add3A_204 : i32
      %dma_start3A_206 = arith.constant 10000 : i32
      %dma_start3A_207 = tpu.memref_slice %arg6[%dma_start3A_206] : memref<20016xf32, #tpu.memory_space<vmem>> -> memref<5000xf32, #tpu.memory_space<vmem>>
      %dma_start3A_208 = tpu.memref_slice %arg4[%add3A_205] : memref<5120000xf32, #tpu.memory_space<hbm>> -> memref<5000xf32, #tpu.memory_space<hbm>>
      %dma_start3A_209 = tpu.memref_slice %arg4[%add3A_205] : memref<5120000xf32, #tpu.memory_space<hbm>> -> memref<5000xf32, #tpu.memory_space<hbm>>
      %dma_start3A_210 = arith.constant 10000 : i32
      %dma_start3A_211 = tpu.memref_slice %arg6[%dma_start3A_210] : memref<20016xf32, #tpu.memory_space<vmem>> -> memref<5000xf32, #tpu.memory_space<vmem>>
      tpu.enqueue_dma source(%dma_start3A_211 : memref<5000xf32, #tpu.memory_space<vmem>>) target(%dma_start3A_209 : memref<5000xf32, #tpu.memory_space<hbm>>) target_semaphore(%arg7 : memref<!tpu.dma_semaphore, #tpu.memory_space<semaphore_mem>>)
      %mul3A_212 = arith.constant 2500 : i32
      %mul3A_213 = arith.muli %mul3A_2, %mul3A_212 : i32
      %add3A_214 = arith.constant 640000 : i32
      %add3A_215 = arith.addi %add3A_214, %mul3A_213 : i32
      %add3A_216 = arith.constant 10000 : i32
      %add3A_217 = arith.addi %add3A_215, %add3A_216 : i32
      %dma_start3A_218 = arith.constant 10000 : i32
      %dma_start3A_219 = tpu.memref_slice %arg6[%dma_start3A_218] : memref<20016xf32, #tpu.memory_space<vmem>> -> memref<5000xf32, #tpu.memory_space<vmem>>
      %dma_start3A_220 = tpu.memref_slice %arg4[%add3A_217] : memref<5120000xf32, #tpu.memory_space<hbm>> -> memref<5000xf32, #tpu.memory_space<hbm>>
      %dma_start3A_221 = tpu.memref_slice %arg4[%add3A_217] : memref<5120000xf32, #tpu.memory_space<hbm>> -> memref<5000xf32, #tpu.memory_space<hbm>>
      %dma_start3A_222 = arith.constant 10000 : i32
      %dma_start3A_223 = tpu.memref_slice %arg6[%dma_start3A_222] : memref<20016xf32, #tpu.memory_space<vmem>> -> memref<5000xf32, #tpu.memory_space<vmem>>
      tpu.enqueue_dma source(%dma_start3A_223 : memref<5000xf32, #tpu.memory_space<vmem>>) target(%dma_start3A_221 : memref<5000xf32, #tpu.memory_space<hbm>>) target_semaphore(%arg7 : memref<!tpu.dma_semaphore, #tpu.memory_space<semaphore_mem>>)
      %mul3A_224 = arith.constant 2500 : i32
      %mul3A_225 = arith.muli %mul3A_2, %mul3A_224 : i32
      %add3A_226 = arith.constant 1280000 : i32
      %add3A_227 = arith.addi %add3A_226, %mul3A_225 : i32
      %add3A_228 = arith.constant 10000 : i32
      %add3A_229 = arith.addi %add3A_227, %add3A_228 : i32
      %dma_start3A_230 = arith.constant 10000 : i32
      %dma_start3A_231 = tpu.memref_slice %arg6[%dma_start3A_230] : memref<20016xf32, #tpu.memory_space<vmem>> -> memref<5000xf32, #tpu.memory_space<vmem>>
      %dma_start3A_232 = tpu.memref_slice %arg4[%add3A_229] : memref<5120000xf32, #tpu.memory_space<hbm>> -> memref<5000xf32, #tpu.memory_space<hbm>>
      %dma_start3A_233 = tpu.memref_slice %arg4[%add3A_229] : memref<5120000xf32, #tpu.memory_space<hbm>> -> memref<5000xf32, #tpu.memory_space<hbm>>
      %dma_start3A_234 = arith.constant 10000 : i32
      %dma_start3A_235 = tpu.memref_slice %arg6[%dma_start3A_234] : memref<20016xf32, #tpu.memory_space<vmem>> -> memref<5000xf32, #tpu.memory_space<vmem>>
      tpu.enqueue_dma source(%dma_start3A_235 : memref<5000xf32, #tpu.memory_space<vmem>>) target(%dma_start3A_233 : memref<5000xf32, #tpu.memory_space<hbm>>) target_semaphore(%arg7 : memref<!tpu.dma_semaphore, #tpu.memory_space<semaphore_mem>>)
      %mul3A_236 = arith.constant 2500 : i32
      %mul3A_237 = arith.muli %mul3A_2, %mul3A_236 : i32
      %add3A_238 = arith.constant 1920000 : i32
      %add3A_239 = arith.addi %add3A_238, %mul3A_237 : i32
      %add3A_240 = arith.constant 10000 : i32
      %add3A_241 = arith.addi %add3A_239, %add3A_240 : i32
      %dma_start3A_242 = arith.constant 10000 : i32
      %dma_start3A_243 = tpu.memref_slice %arg6[%dma_start3A_242] : memref<20016xf32, #tpu.memory_space<vmem>> -> memref<5000xf32, #tpu.memory_space<vmem>>
      %dma_start3A_244 = tpu.memref_slice %arg4[%add3A_241] : memref<5120000xf32, #tpu.memory_space<hbm>> -> memref<5000xf32, #tpu.memory_space<hbm>>
      %dma_start3A_245 = tpu.memref_slice %arg4[%add3A_241] : memref<5120000xf32, #tpu.memory_space<hbm>> -> memref<5000xf32, #tpu.memory_space<hbm>>
      %dma_start3A_246 = arith.constant 10000 : i32
      %dma_start3A_247 = tpu.memref_slice %arg6[%dma_start3A_246] : memref<20016xf32, #tpu.memory_space<vmem>> -> memref<5000xf32, #tpu.memory_space<vmem>>
      tpu.enqueue_dma source(%dma_start3A_247 : memref<5000xf32, #tpu.memory_space<vmem>>) target(%dma_start3A_245 : memref<5000xf32, #tpu.memory_space<hbm>>) target_semaphore(%arg7 : memref<!tpu.dma_semaphore, #tpu.memory_space<semaphore_mem>>)
      %mul3A_248 = arith.constant 2500 : i32
      %mul3A_249 = arith.muli %mul3A_2, %mul3A_248 : i32
      %add3A_250 = arith.constant 2560000 : i32
      %add3A_251 = arith.addi %add3A_250, %mul3A_249 : i32
      %add3A_252 = arith.constant 10000 : i32
      %add3A_253 = arith.addi %add3A_251, %add3A_252 : i32
      %dma_start3A_254 = arith.constant 10000 : i32
      %dma_start3A_255 = tpu.memref_slice %arg6[%dma_start3A_254] : memref<20016xf32, #tpu.memory_space<vmem>> -> memref<5000xf32, #tpu.memory_space<vmem>>
      %dma_start3A_256 = tpu.memref_slice %arg4[%add3A_253] : memref<5120000xf32, #tpu.memory_space<hbm>> -> memref<5000xf32, #tpu.memory_space<hbm>>
      %dma_start3A_257 = tpu.memref_slice %arg4[%add3A_253] : memref<5120000xf32, #tpu.memory_space<hbm>> -> memref<5000xf32, #tpu.memory_space<hbm>>
      %dma_start3A_258 = arith.constant 10000 : i32
      %dma_start3A_259 = tpu.memref_slice %arg6[%dma_start3A_258] : memref<20016xf32, #tpu.memory_space<vmem>> -> memref<5000xf32, #tpu.memory_space<vmem>>
      tpu.enqueue_dma source(%dma_start3A_259 : memref<5000xf32, #tpu.memory_space<vmem>>) target(%dma_start3A_257 : memref<5000xf32, #tpu.memory_space<hbm>>) target_semaphore(%arg7 : memref<!tpu.dma_semaphore, #tpu.memory_space<semaphore_mem>>)
      %mul3A_260 = arith.constant 2500 : i32
      %mul3A_261 = arith.muli %mul3A_2, %mul3A_260 : i32
      %add3A_262 = arith.constant 3200000 : i32
      %add3A_263 = arith.addi %add3A_262, %mul3A_261 : i32
      %add3A_264 = arith.constant 10000 : i32
      %add3A_265 = arith.addi %add3A_263, %add3A_264 : i32
      %dma_start3A_266 = arith.constant 10000 : i32
      %dma_start3A_267 = tpu.memref_slice %arg6[%dma_start3A_266] : memref<20016xf32, #tpu.memory_space<vmem>> -> memref<5000xf32, #tpu.memory_space<vmem>>
      %dma_start3A_268 = tpu.memref_slice %arg4[%add3A_265] : memref<5120000xf32, #tpu.memory_space<hbm>> -> memref<5000xf32, #tpu.memory_space<hbm>>
      %dma_start3A_269 = tpu.memref_slice %arg4[%add3A_265] : memref<5120000xf32, #tpu.memory_space<hbm>> -> memref<5000xf32, #tpu.memory_space<hbm>>
      %dma_start3A_270 = arith.constant 10000 : i32
      %dma_start3A_271 = tpu.memref_slice %arg6[%dma_start3A_270] : memref<20016xf32, #tpu.memory_space<vmem>> -> memref<5000xf32, #tpu.memory_space<vmem>>
      tpu.enqueue_dma source(%dma_start3A_271 : memref<5000xf32, #tpu.memory_space<vmem>>) target(%dma_start3A_269 : memref<5000xf32, #tpu.memory_space<hbm>>) target_semaphore(%arg7 : memref<!tpu.dma_semaphore, #tpu.memory_space<semaphore_mem>>)
      %mul3A_272 = arith.constant 2500 : i32
      %mul3A_273 = arith.muli %mul3A_2, %mul3A_272 : i32
      %add3A_274 = arith.constant 3840000 : i32
      %add3A_275 = arith.addi %add3A_274, %mul3A_273 : i32
      %add3A_276 = arith.constant 10000 : i32
      %add3A_277 = arith.addi %add3A_275, %add3A_276 : i32
      %dma_start3A_278 = arith.constant 10000 : i32
      %dma_start3A_279 = tpu.memref_slice %arg6[%dma_start3A_278] : memref<20016xf32, #tpu.memory_space<vmem>> -> memref<5000xf32, #tpu.memory_space<vmem>>
      %dma_start3A_280 = tpu.memref_slice %arg4[%add3A_277] : memref<5120000xf32, #tpu.memory_space<hbm>> -> memref<5000xf32, #tpu.memory_space<hbm>>
      %dma_start3A_281 = tpu.memref_slice %arg4[%add3A_277] : memref<5120000xf32, #tpu.memory_space<hbm>> -> memref<5000xf32, #tpu.memory_space<hbm>>
      %dma_start3A_282 = arith.constant 10000 : i32
      %dma_start3A_283 = tpu.memref_slice %arg6[%dma_start3A_282] : memref<20016xf32, #tpu.memory_space<vmem>> -> memref<5000xf32, #tpu.memory_space<vmem>>
      tpu.enqueue_dma source(%dma_start3A_283 : memref<5000xf32, #tpu.memory_space<vmem>>) target(%dma_start3A_281 : memref<5000xf32, #tpu.memory_space<hbm>>) target_semaphore(%arg7 : memref<!tpu.dma_semaphore, #tpu.memory_space<semaphore_mem>>)
      %mul3A_284 = arith.constant 2500 : i32
      %mul3A_285 = arith.muli %mul3A_2, %mul3A_284 : i32
      %add3A_286 = arith.constant 4480000 : i32
      %add3A_287 = arith.addi %add3A_286, %mul3A_285 : i32
      %add3A_288 = arith.constant 10000 : i32
      %add3A_289 = arith.addi %add3A_287, %add3A_288 : i32
      %dma_start3A_290 = arith.constant 10000 : i32
      %dma_start3A_291 = tpu.memref_slice %arg6[%dma_start3A_290] : memref<20016xf32, #tpu.memory_space<vmem>> -> memref<5000xf32, #tpu.memory_space<vmem>>
      %dma_start3A_292 = tpu.memref_slice %arg4[%add3A_289] : memref<5120000xf32, #tpu.memory_space<hbm>> -> memref<5000xf32, #tpu.memory_space<hbm>>
      %dma_start3A_293 = tpu.memref_slice %arg4[%add3A_289] : memref<5120000xf32, #tpu.memory_space<hbm>> -> memref<5000xf32, #tpu.memory_space<hbm>>
      %dma_start3A_294 = arith.constant 10000 : i32
      %dma_start3A_295 = tpu.memref_slice %arg6[%dma_start3A_294] : memref<20016xf32, #tpu.memory_space<vmem>> -> memref<5000xf32, #tpu.memory_space<vmem>>
      tpu.enqueue_dma source(%dma_start3A_295 : memref<5000xf32, #tpu.memory_space<vmem>>) target(%dma_start3A_293 : memref<5000xf32, #tpu.memory_space<hbm>>) target_semaphore(%arg7 : memref<!tpu.dma_semaphore, #tpu.memory_space<semaphore_mem>>)
      %mul3A_296 = arith.constant 2500 : i32
      %mul3A_297 = arith.muli %mul3A_2, %mul3A_296 : i32
      %add3A_298 = arith.constant 0 : i32
      %add3A_299 = arith.addi %add3A_298, %mul3A_297 : i32
      %add3A_300 = arith.constant 15000 : i32
      %add3A_301 = arith.addi %add3A_299, %add3A_300 : i32
      %dma_start3A_302 = arith.constant 15000 : i32
      %dma_start3A_303 = tpu.memref_slice %arg6[%dma_start3A_302] : memref<20016xf32, #tpu.memory_space<vmem>> -> memref<5000xf32, #tpu.memory_space<vmem>>
      %dma_start3A_304 = tpu.memref_slice %arg4[%add3A_301] : memref<5120000xf32, #tpu.memory_space<hbm>> -> memref<5000xf32, #tpu.memory_space<hbm>>
      %dma_start3A_305 = tpu.memref_slice %arg4[%add3A_301] : memref<5120000xf32, #tpu.memory_space<hbm>> -> memref<5000xf32, #tpu.memory_space<hbm>>
      %dma_start3A_306 = arith.constant 15000 : i32
      %dma_start3A_307 = tpu.memref_slice %arg6[%dma_start3A_306] : memref<20016xf32, #tpu.memory_space<vmem>> -> memref<5000xf32, #tpu.memory_space<vmem>>
      tpu.enqueue_dma source(%dma_start3A_307 : memref<5000xf32, #tpu.memory_space<vmem>>) target(%dma_start3A_305 : memref<5000xf32, #tpu.memory_space<hbm>>) target_semaphore(%arg7 : memref<!tpu.dma_semaphore, #tpu.memory_space<semaphore_mem>>)
      %mul3A_308 = arith.constant 2500 : i32
      %mul3A_309 = arith.muli %mul3A_2, %mul3A_308 : i32
      %add3A_310 = arith.constant 640000 : i32
      %add3A_311 = arith.addi %add3A_310, %mul3A_309 : i32
      %add3A_312 = arith.constant 15000 : i32
      %add3A_313 = arith.addi %add3A_311, %add3A_312 : i32
      %dma_start3A_314 = arith.constant 15000 : i32
      %dma_start3A_315 = tpu.memref_slice %arg6[%dma_start3A_314] : memref<20016xf32, #tpu.memory_space<vmem>> -> memref<5000xf32, #tpu.memory_space<vmem>>
      %dma_start3A_316 = tpu.memref_slice %arg4[%add3A_313] : memref<5120000xf32, #tpu.memory_space<hbm>> -> memref<5000xf32, #tpu.memory_space<hbm>>
      %dma_start3A_317 = tpu.memref_slice %arg4[%add3A_313] : memref<5120000xf32, #tpu.memory_space<hbm>> -> memref<5000xf32, #tpu.memory_space<hbm>>
      %dma_start3A_318 = arith.constant 15000 : i32
      %dma_start3A_319 = tpu.memref_slice %arg6[%dma_start3A_318] : memref<20016xf32, #tpu.memory_space<vmem>> -> memref<5000xf32, #tpu.memory_space<vmem>>
      tpu.enqueue_dma source(%dma_start3A_319 : memref<5000xf32, #tpu.memory_space<vmem>>) target(%dma_start3A_317 : memref<5000xf32, #tpu.memory_space<hbm>>) target_semaphore(%arg7 : memref<!tpu.dma_semaphore, #tpu.memory_space<semaphore_mem>>)
      %mul3A_320 = arith.constant 2500 : i32
      %mul3A_321 = arith.muli %mul3A_2, %mul3A_320 : i32
      %add3A_322 = arith.constant 1280000 : i32
      %add3A_323 = arith.addi %add3A_322, %mul3A_321 : i32
      %add3A_324 = arith.constant 15000 : i32
      %add3A_325 = arith.addi %add3A_323, %add3A_324 : i32
      %dma_start3A_326 = arith.constant 15000 : i32
      %dma_start3A_327 = tpu.memref_slice %arg6[%dma_start3A_326] : memref<20016xf32, #tpu.memory_space<vmem>> -> memref<5000xf32, #tpu.memory_space<vmem>>
      %dma_start3A_328 = tpu.memref_slice %arg4[%add3A_325] : memref<5120000xf32, #tpu.memory_space<hbm>> -> memref<5000xf32, #tpu.memory_space<hbm>>
      %dma_start3A_329 = tpu.memref_slice %arg4[%add3A_325] : memref<5120000xf32, #tpu.memory_space<hbm>> -> memref<5000xf32, #tpu.memory_space<hbm>>
      %dma_start3A_330 = arith.constant 15000 : i32
      %dma_start3A_331 = tpu.memref_slice %arg6[%dma_start3A_330] : memref<20016xf32, #tpu.memory_space<vmem>> -> memref<5000xf32, #tpu.memory_space<vmem>>
      tpu.enqueue_dma source(%dma_start3A_331 : memref<5000xf32, #tpu.memory_space<vmem>>) target(%dma_start3A_329 : memref<5000xf32, #tpu.memory_space<hbm>>) target_semaphore(%arg7 : memref<!tpu.dma_semaphore, #tpu.memory_space<semaphore_mem>>)
      %mul3A_332 = arith.constant 2500 : i32
      %mul3A_333 = arith.muli %mul3A_2, %mul3A_332 : i32
      %add3A_334 = arith.constant 1920000 : i32
      %add3A_335 = arith.addi %add3A_334, %mul3A_333 : i32
      %add3A_336 = arith.constant 15000 : i32
      %add3A_337 = arith.addi %add3A_335, %add3A_336 : i32
      %dma_start3A_338 = arith.constant 15000 : i32
      %dma_start3A_339 = tpu.memref_slice %arg6[%dma_start3A_338] : memref<20016xf32, #tpu.memory_space<vmem>> -> memref<5000xf32, #tpu.memory_space<vmem>>
      %dma_start3A_340 = tpu.memref_slice %arg4[%add3A_337] : memref<5120000xf32, #tpu.memory_space<hbm>> -> memref<5000xf32, #tpu.memory_space<hbm>>
      %dma_start3A_341 = tpu.memref_slice %arg4[%add3A_337] : memref<5120000xf32, #tpu.memory_space<hbm>> -> memref<5000xf32, #tpu.memory_space<hbm>>
      %dma_start3A_342 = arith.constant 15000 : i32
      %dma_start3A_343 = tpu.memref_slice %arg6[%dma_start3A_342] : memref<20016xf32, #tpu.memory_space<vmem>> -> memref<5000xf32, #tpu.memory_space<vmem>>
      tpu.enqueue_dma source(%dma_start3A_343 : memref<5000xf32, #tpu.memory_space<vmem>>) target(%dma_start3A_341 : memref<5000xf32, #tpu.memory_space<hbm>>) target_semaphore(%arg7 : memref<!tpu.dma_semaphore, #tpu.memory_space<semaphore_mem>>)
      %mul3A_344 = arith.constant 2500 : i32
      %mul3A_345 = arith.muli %mul3A_2, %mul3A_344 : i32
      %add3A_346 = arith.constant 2560000 : i32
      %add3A_347 = arith.addi %add3A_346, %mul3A_345 : i32
      %add3A_348 = arith.constant 15000 : i32
      %add3A_349 = arith.addi %add3A_347, %add3A_348 : i32
      %dma_start3A_350 = arith.constant 15000 : i32
      %dma_start3A_351 = tpu.memref_slice %arg6[%dma_start3A_350] : memref<20016xf32, #tpu.memory_space<vmem>> -> memref<5000xf32, #tpu.memory_space<vmem>>
      %dma_start3A_352 = tpu.memref_slice %arg4[%add3A_349] : memref<5120000xf32, #tpu.memory_space<hbm>> -> memref<5000xf32, #tpu.memory_space<hbm>>
      %dma_start3A_353 = tpu.memref_slice %arg4[%add3A_349] : memref<5120000xf32, #tpu.memory_space<hbm>> -> memref<5000xf32, #tpu.memory_space<hbm>>
      %dma_start3A_354 = arith.constant 15000 : i32
      %dma_start3A_355 = tpu.memref_slice %arg6[%dma_start3A_354] : memref<20016xf32, #tpu.memory_space<vmem>> -> memref<5000xf32, #tpu.memory_space<vmem>>
      tpu.enqueue_dma source(%dma_start3A_355 : memref<5000xf32, #tpu.memory_space<vmem>>) target(%dma_start3A_353 : memref<5000xf32, #tpu.memory_space<hbm>>) target_semaphore(%arg7 : memref<!tpu.dma_semaphore, #tpu.memory_space<semaphore_mem>>)
      %mul3A_356 = arith.constant 2500 : i32
      %mul3A_357 = arith.muli %mul3A_2, %mul3A_356 : i32
      %add3A_358 = arith.constant 3200000 : i32
      %add3A_359 = arith.addi %add3A_358, %mul3A_357 : i32
      %add3A_360 = arith.constant 15000 : i32
      %add3A_361 = arith.addi %add3A_359, %add3A_360 : i32
      %dma_start3A_362 = arith.constant 15000 : i32
      %dma_start3A_363 = tpu.memref_slice %arg6[%dma_start3A_362] : memref<20016xf32, #tpu.memory_space<vmem>> -> memref<5000xf32, #tpu.memory_space<vmem>>
      %dma_start3A_364 = tpu.memref_slice %arg4[%add3A_361] : memref<5120000xf32, #tpu.memory_space<hbm>> -> memref<5000xf32, #tpu.memory_space<hbm>>
      %dma_start3A_365 = tpu.memref_slice %arg4[%add3A_361] : memref<5120000xf32, #tpu.memory_space<hbm>> -> memref<5000xf32, #tpu.memory_space<hbm>>
      %dma_start3A_366 = arith.constant 15000 : i32
      %dma_start3A_367 = tpu.memref_slice %arg6[%dma_start3A_366] : memref<20016xf32, #tpu.memory_space<vmem>> -> memref<5000xf32, #tpu.memory_space<vmem>>
      tpu.enqueue_dma source(%dma_start3A_367 : memref<5000xf32, #tpu.memory_space<vmem>>) target(%dma_start3A_365 : memref<5000xf32, #tpu.memory_space<hbm>>) target_semaphore(%arg7 : memref<!tpu.dma_semaphore, #tpu.memory_space<semaphore_mem>>)
      %mul3A_368 = arith.constant 2500 : i32
      %mul3A_369 = arith.muli %mul3A_2, %mul3A_368 : i32
      %add3A_370 = arith.constant 3840000 : i32
      %add3A_371 = arith.addi %add3A_370, %mul3A_369 : i32
      %add3A_372 = arith.constant 15000 : i32
      %add3A_373 = arith.addi %add3A_371, %add3A_372 : i32
      %dma_start3A_374 = arith.constant 15000 : i32
      %dma_start3A_375 = tpu.memref_slice %arg6[%dma_start3A_374] : memref<20016xf32, #tpu.memory_space<vmem>> -> memref<5000xf32, #tpu.memory_space<vmem>>
      %dma_start3A_376 = tpu.memref_slice %arg4[%add3A_373] : memref<5120000xf32, #tpu.memory_space<hbm>> -> memref<5000xf32, #tpu.memory_space<hbm>>
      %dma_start3A_377 = tpu.memref_slice %arg4[%add3A_373] : memref<5120000xf32, #tpu.memory_space<hbm>> -> memref<5000xf32, #tpu.memory_space<hbm>>
      %dma_start3A_378 = arith.constant 15000 : i32
      %dma_start3A_379 = tpu.memref_slice %arg6[%dma_start3A_378] : memref<20016xf32, #tpu.memory_space<vmem>> -> memref<5000xf32, #tpu.memory_space<vmem>>
      tpu.enqueue_dma source(%dma_start3A_379 : memref<5000xf32, #tpu.memory_space<vmem>>) target(%dma_start3A_377 : memref<5000xf32, #tpu.memory_space<hbm>>) target_semaphore(%arg7 : memref<!tpu.dma_semaphore, #tpu.memory_space<semaphore_mem>>)
      %mul3A_380 = arith.constant 2500 : i32
      %mul3A_381 = arith.muli %mul3A_2, %mul3A_380 : i32
      %add3A_382 = arith.constant 4480000 : i32
      %add3A_383 = arith.addi %add3A_382, %mul3A_381 : i32
      %add3A_384 = arith.constant 15000 : i32
      %add3A_385 = arith.addi %add3A_383, %add3A_384 : i32
      %dma_start3A_386 = arith.constant 15000 : i32
      %dma_start3A_387 = tpu.memref_slice %arg6[%dma_start3A_386] : memref<20016xf32, #tpu.memory_space<vmem>> -> memref<5000xf32, #tpu.memory_space<vmem>>
      %dma_start3A_388 = tpu.memref_slice %arg4[%add3A_385] : memref<5120000xf32, #tpu.memory_space<hbm>> -> memref<5000xf32, #tpu.memory_space<hbm>>
      %dma_start3A_389 = tpu.memref_slice %arg4[%add3A_385] : memref<5120000xf32, #tpu.memory_space<hbm>> -> memref<5000xf32, #tpu.memory_space<hbm>>
      %dma_start3A_390 = arith.constant 15000 : i32
      %dma_start3A_391 = tpu.memref_slice %arg6[%dma_start3A_390] : memref<20016xf32, #tpu.memory_space<vmem>> -> memref<5000xf32, #tpu.memory_space<vmem>>
      tpu.enqueue_dma source(%dma_start3A_391 : memref<5000xf32, #tpu.memory_space<vmem>>) target(%dma_start3A_389 : memref<5000xf32, #tpu.memory_space<hbm>>) target_semaphore(%arg7 : memref<!tpu.dma_semaphore, #tpu.memory_space<semaphore_mem>>)
      %dma_wait3A = arith.constant 0 : i32
      %dma_wait3A_392 = tpu.memref_slice %arg6[%dma_wait3A] : memref<20016xf32, #tpu.memory_space<vmem>> -> memref<5000xf32, #tpu.memory_space<vmem>>
      %dma_wait3A_393 = tpu.memref_slice %arg4[%add3A_14] : memref<5120000xf32, #tpu.memory_space<hbm>> -> memref<5000xf32, #tpu.memory_space<hbm>>
      %dma_wait3A_394 = tpu.memref_slice %arg4[%add3A_14] : memref<5120000xf32, #tpu.memory_space<hbm>> -> memref<5000xf32, #tpu.memory_space<hbm>>
      %dma_wait3A_395 = arith.constant 0 : i32
      %dma_wait3A_396 = tpu.memref_slice %arg6[%dma_wait3A_395] : memref<20016xf32, #tpu.memory_space<vmem>> -> memref<5000xf32, #tpu.memory_space<vmem>>
      tpu.wait_dma2 semaphore(%arg7 : memref<!tpu.dma_semaphore, #tpu.memory_space<semaphore_mem>>) src(%dma_wait3A_396 : memref<5000xf32, #tpu.memory_space<vmem>>) dst(%dma_wait3A_394 : memref<5000xf32, #tpu.memory_space<hbm>>)
      %dma_wait3A_397 = arith.constant 0 : i32
      %dma_wait3A_398 = tpu.memref_slice %arg6[%dma_wait3A_397] : memref<20016xf32, #tpu.memory_space<vmem>> -> memref<5000xf32, #tpu.memory_space<vmem>>
      %dma_wait3A_399 = tpu.memref_slice %arg4[%add3A_25] : memref<5120000xf32, #tpu.memory_space<hbm>> -> memref<5000xf32, #tpu.memory_space<hbm>>
      %dma_wait3A_400 = tpu.memref_slice %arg4[%add3A_25] : memref<5120000xf32, #tpu.memory_space<hbm>> -> memref<5000xf32, #tpu.memory_space<hbm>>
      %dma_wait3A_401 = arith.constant 0 : i32
      %dma_wait3A_402 = tpu.memref_slice %arg6[%dma_wait3A_401] : memref<20016xf32, #tpu.memory_space<vmem>> -> memref<5000xf32, #tpu.memory_space<vmem>>
      tpu.wait_dma2 semaphore(%arg7 : memref<!tpu.dma_semaphore, #tpu.memory_space<semaphore_mem>>) src(%dma_wait3A_402 : memref<5000xf32, #tpu.memory_space<vmem>>) dst(%dma_wait3A_400 : memref<5000xf32, #tpu.memory_space<hbm>>)
      %dma_wait3A_403 = arith.constant 0 : i32
      %dma_wait3A_404 = tpu.memref_slice %arg6[%dma_wait3A_403] : memref<20016xf32, #tpu.memory_space<vmem>> -> memref<5000xf32, #tpu.memory_space<vmem>>
      %dma_wait3A_405 = tpu.memref_slice %arg4[%add3A_37] : memref<5120000xf32, #tpu.memory_space<hbm>> -> memref<5000xf32, #tpu.memory_space<hbm>>
      %dma_wait3A_406 = tpu.memref_slice %arg4[%add3A_37] : memref<5120000xf32, #tpu.memory_space<hbm>> -> memref<5000xf32, #tpu.memory_space<hbm>>
      %dma_wait3A_407 = arith.constant 0 : i32
      %dma_wait3A_408 = tpu.memref_slice %arg6[%dma_wait3A_407] : memref<20016xf32, #tpu.memory_space<vmem>> -> memref<5000xf32, #tpu.memory_space<vmem>>
      tpu.wait_dma2 semaphore(%arg7 : memref<!tpu.dma_semaphore, #tpu.memory_space<semaphore_mem>>) src(%dma_wait3A_408 : memref<5000xf32, #tpu.memory_space<vmem>>) dst(%dma_wait3A_406 : memref<5000xf32, #tpu.memory_space<hbm>>)
      %dma_wait3A_409 = arith.constant 0 : i32
      %dma_wait3A_410 = tpu.memref_slice %arg6[%dma_wait3A_409] : memref<20016xf32, #tpu.memory_space<vmem>> -> memref<5000xf32, #tpu.memory_space<vmem>>
      %dma_wait3A_411 = tpu.memref_slice %arg4[%add3A_49] : memref<5120000xf32, #tpu.memory_space<hbm>> -> memref<5000xf32, #tpu.memory_space<hbm>>
      %dma_wait3A_412 = tpu.memref_slice %arg4[%add3A_49] : memref<5120000xf32, #tpu.memory_space<hbm>> -> memref<5000xf32, #tpu.memory_space<hbm>>
      %dma_wait3A_413 = arith.constant 0 : i32
      %dma_wait3A_414 = tpu.memref_slice %arg6[%dma_wait3A_413] : memref<20016xf32, #tpu.memory_space<vmem>> -> memref<5000xf32, #tpu.memory_space<vmem>>
      tpu.wait_dma2 semaphore(%arg7 : memref<!tpu.dma_semaphore, #tpu.memory_space<semaphore_mem>>) src(%dma_wait3A_414 : memref<5000xf32, #tpu.memory_space<vmem>>) dst(%dma_wait3A_412 : memref<5000xf32, #tpu.memory_space<hbm>>)
      %dma_wait3A_415 = arith.constant 0 : i32
      %dma_wait3A_416 = tpu.memref_slice %arg6[%dma_wait3A_415] : memref<20016xf32, #tpu.memory_space<vmem>> -> memref<5000xf32, #tpu.memory_space<vmem>>
      %dma_wait3A_417 = tpu.memref_slice %arg4[%add3A_61] : memref<5120000xf32, #tpu.memory_space<hbm>> -> memref<5000xf32, #tpu.memory_space<hbm>>
      %dma_wait3A_418 = tpu.memref_slice %arg4[%add3A_61] : memref<5120000xf32, #tpu.memory_space<hbm>> -> memref<5000xf32, #tpu.memory_space<hbm>>
      %dma_wait3A_419 = arith.constant 0 : i32
      %dma_wait3A_420 = tpu.memref_slice %arg6[%dma_wait3A_419] : memref<20016xf32, #tpu.memory_space<vmem>> -> memref<5000xf32, #tpu.memory_space<vmem>>
      tpu.wait_dma2 semaphore(%arg7 : memref<!tpu.dma_semaphore, #tpu.memory_space<semaphore_mem>>) src(%dma_wait3A_420 : memref<5000xf32, #tpu.memory_space<vmem>>) dst(%dma_wait3A_418 : memref<5000xf32, #tpu.memory_space<hbm>>)
      %dma_wait3A_421 = arith.constant 0 : i32
      %dma_wait3A_422 = tpu.memref_slice %arg6[%dma_wait3A_421] : memref<20016xf32, #tpu.memory_space<vmem>> -> memref<5000xf32, #tpu.memory_space<vmem>>
      %dma_wait3A_423 = tpu.memref_slice %arg4[%add3A_73] : memref<5120000xf32, #tpu.memory_space<hbm>> -> memref<5000xf32, #tpu.memory_space<hbm>>
      %dma_wait3A_424 = tpu.memref_slice %arg4[%add3A_73] : memref<5120000xf32, #tpu.memory_space<hbm>> -> memref<5000xf32, #tpu.memory_space<hbm>>
      %dma_wait3A_425 = arith.constant 0 : i32
      %dma_wait3A_426 = tpu.memref_slice %arg6[%dma_wait3A_425] : memref<20016xf32, #tpu.memory_space<vmem>> -> memref<5000xf32, #tpu.memory_space<vmem>>
      tpu.wait_dma2 semaphore(%arg7 : memref<!tpu.dma_semaphore, #tpu.memory_space<semaphore_mem>>) src(%dma_wait3A_426 : memref<5000xf32, #tpu.memory_space<vmem>>) dst(%dma_wait3A_424 : memref<5000xf32, #tpu.memory_space<hbm>>)
      %dma_wait3A_427 = arith.constant 0 : i32
      %dma_wait3A_428 = tpu.memref_slice %arg6[%dma_wait3A_427] : memref<20016xf32, #tpu.memory_space<vmem>> -> memref<5000xf32, #tpu.memory_space<vmem>>
      %dma_wait3A_429 = tpu.memref_slice %arg4[%add3A_85] : memref<5120000xf32, #tpu.memory_space<hbm>> -> memref<5000xf32, #tpu.memory_space<hbm>>
      %dma_wait3A_430 = tpu.memref_slice %arg4[%add3A_85] : memref<5120000xf32, #tpu.memory_space<hbm>> -> memref<5000xf32, #tpu.memory_space<hbm>>
      %dma_wait3A_431 = arith.constant 0 : i32
      %dma_wait3A_432 = tpu.memref_slice %arg6[%dma_wait3A_431] : memref<20016xf32, #tpu.memory_space<vmem>> -> memref<5000xf32, #tpu.memory_space<vmem>>
      tpu.wait_dma2 semaphore(%arg7 : memref<!tpu.dma_semaphore, #tpu.memory_space<semaphore_mem>>) src(%dma_wait3A_432 : memref<5000xf32, #tpu.memory_space<vmem>>) dst(%dma_wait3A_430 : memref<5000xf32, #tpu.memory_space<hbm>>)
      %dma_wait3A_433 = arith.constant 0 : i32
      %dma_wait3A_434 = tpu.memref_slice %arg6[%dma_wait3A_433] : memref<20016xf32, #tpu.memory_space<vmem>> -> memref<5000xf32, #tpu.memory_space<vmem>>
      %dma_wait3A_435 = tpu.memref_slice %arg4[%add3A_97] : memref<5120000xf32, #tpu.memory_space<hbm>> -> memref<5000xf32, #tpu.memory_space<hbm>>
      %dma_wait3A_436 = tpu.memref_slice %arg4[%add3A_97] : memref<5120000xf32, #tpu.memory_space<hbm>> -> memref<5000xf32, #tpu.memory_space<hbm>>
      %dma_wait3A_437 = arith.constant 0 : i32
      %dma_wait3A_438 = tpu.memref_slice %arg6[%dma_wait3A_437] : memref<20016xf32, #tpu.memory_space<vmem>> -> memref<5000xf32, #tpu.memory_space<vmem>>
      tpu.wait_dma2 semaphore(%arg7 : memref<!tpu.dma_semaphore, #tpu.memory_space<semaphore_mem>>) src(%dma_wait3A_438 : memref<5000xf32, #tpu.memory_space<vmem>>) dst(%dma_wait3A_436 : memref<5000xf32, #tpu.memory_space<hbm>>)
      %dma_wait3A_439 = arith.constant 5000 : i32
      %dma_wait3A_440 = tpu.memref_slice %arg6[%dma_wait3A_439] : memref<20016xf32, #tpu.memory_space<vmem>> -> memref<5000xf32, #tpu.memory_space<vmem>>
      %dma_wait3A_441 = tpu.memref_slice %arg4[%add3A_109] : memref<5120000xf32, #tpu.memory_space<hbm>> -> memref<5000xf32, #tpu.memory_space<hbm>>
      %dma_wait3A_442 = tpu.memref_slice %arg4[%add3A_109] : memref<5120000xf32, #tpu.memory_space<hbm>> -> memref<5000xf32, #tpu.memory_space<hbm>>
      %dma_wait3A_443 = arith.constant 5000 : i32
      %dma_wait3A_444 = tpu.memref_slice %arg6[%dma_wait3A_443] : memref<20016xf32, #tpu.memory_space<vmem>> -> memref<5000xf32, #tpu.memory_space<vmem>>
      tpu.wait_dma2 semaphore(%arg7 : memref<!tpu.dma_semaphore, #tpu.memory_space<semaphore_mem>>) src(%dma_wait3A_444 : memref<5000xf32, #tpu.memory_space<vmem>>) dst(%dma_wait3A_442 : memref<5000xf32, #tpu.memory_space<hbm>>)
      %dma_wait3A_445 = arith.constant 5000 : i32
      %dma_wait3A_446 = tpu.memref_slice %arg6[%dma_wait3A_445] : memref<20016xf32, #tpu.memory_space<vmem>> -> memref<5000xf32, #tpu.memory_space<vmem>>
      %dma_wait3A_447 = tpu.memref_slice %arg4[%add3A_121] : memref<5120000xf32, #tpu.memory_space<hbm>> -> memref<5000xf32, #tpu.memory_space<hbm>>
      %dma_wait3A_448 = tpu.memref_slice %arg4[%add3A_121] : memref<5120000xf32, #tpu.memory_space<hbm>> -> memref<5000xf32, #tpu.memory_space<hbm>>
      %dma_wait3A_449 = arith.constant 5000 : i32
      %dma_wait3A_450 = tpu.memref_slice %arg6[%dma_wait3A_449] : memref<20016xf32, #tpu.memory_space<vmem>> -> memref<5000xf32, #tpu.memory_space<vmem>>
      tpu.wait_dma2 semaphore(%arg7 : memref<!tpu.dma_semaphore, #tpu.memory_space<semaphore_mem>>) src(%dma_wait3A_450 : memref<5000xf32, #tpu.memory_space<vmem>>) dst(%dma_wait3A_448 : memref<5000xf32, #tpu.memory_space<hbm>>)
      %dma_wait3A_451 = arith.constant 5000 : i32
      %dma_wait3A_452 = tpu.memref_slice %arg6[%dma_wait3A_451] : memref<20016xf32, #tpu.memory_space<vmem>> -> memref<5000xf32, #tpu.memory_space<vmem>>
      %dma_wait3A_453 = tpu.memref_slice %arg4[%add3A_133] : memref<5120000xf32, #tpu.memory_space<hbm>> -> memref<5000xf32, #tpu.memory_space<hbm>>
      %dma_wait3A_454 = tpu.memref_slice %arg4[%add3A_133] : memref<5120000xf32, #tpu.memory_space<hbm>> -> memref<5000xf32, #tpu.memory_space<hbm>>
      %dma_wait3A_455 = arith.constant 5000 : i32
      %dma_wait3A_456 = tpu.memref_slice %arg6[%dma_wait3A_455] : memref<20016xf32, #tpu.memory_space<vmem>> -> memref<5000xf32, #tpu.memory_space<vmem>>
      tpu.wait_dma2 semaphore(%arg7 : memref<!tpu.dma_semaphore, #tpu.memory_space<semaphore_mem>>) src(%dma_wait3A_456 : memref<5000xf32, #tpu.memory_space<vmem>>) dst(%dma_wait3A_454 : memref<5000xf32, #tpu.memory_space<hbm>>)
      %dma_wait3A_457 = arith.constant 5000 : i32
      %dma_wait3A_458 = tpu.memref_slice %arg6[%dma_wait3A_457] : memref<20016xf32, #tpu.memory_space<vmem>> -> memref<5000xf32, #tpu.memory_space<vmem>>
      %dma_wait3A_459 = tpu.memref_slice %arg4[%add3A_145] : memref<5120000xf32, #tpu.memory_space<hbm>> -> memref<5000xf32, #tpu.memory_space<hbm>>
      %dma_wait3A_460 = tpu.memref_slice %arg4[%add3A_145] : memref<5120000xf32, #tpu.memory_space<hbm>> -> memref<5000xf32, #tpu.memory_space<hbm>>
      %dma_wait3A_461 = arith.constant 5000 : i32
      %dma_wait3A_462 = tpu.memref_slice %arg6[%dma_wait3A_461] : memref<20016xf32, #tpu.memory_space<vmem>> -> memref<5000xf32, #tpu.memory_space<vmem>>
      tpu.wait_dma2 semaphore(%arg7 : memref<!tpu.dma_semaphore, #tpu.memory_space<semaphore_mem>>) src(%dma_wait3A_462 : memref<5000xf32, #tpu.memory_space<vmem>>) dst(%dma_wait3A_460 : memref<5000xf32, #tpu.memory_space<hbm>>)
      %dma_wait3A_463 = arith.constant 5000 : i32
      %dma_wait3A_464 = tpu.memref_slice %arg6[%dma_wait3A_463] : memref<20016xf32, #tpu.memory_space<vmem>> -> memref<5000xf32, #tpu.memory_space<vmem>>
      %dma_wait3A_465 = tpu.memref_slice %arg4[%add3A_157] : memref<5120000xf32, #tpu.memory_space<hbm>> -> memref<5000xf32, #tpu.memory_space<hbm>>
      %dma_wait3A_466 = tpu.memref_slice %arg4[%add3A_157] : memref<5120000xf32, #tpu.memory_space<hbm>> -> memref<5000xf32, #tpu.memory_space<hbm>>
      %dma_wait3A_467 = arith.constant 5000 : i32
      %dma_wait3A_468 = tpu.memref_slice %arg6[%dma_wait3A_467] : memref<20016xf32, #tpu.memory_space<vmem>> -> memref<5000xf32, #tpu.memory_space<vmem>>
      tpu.wait_dma2 semaphore(%arg7 : memref<!tpu.dma_semaphore, #tpu.memory_space<semaphore_mem>>) src(%dma_wait3A_468 : memref<5000xf32, #tpu.memory_space<vmem>>) dst(%dma_wait3A_466 : memref<5000xf32, #tpu.memory_space<hbm>>)
      %dma_wait3A_469 = arith.constant 5000 : i32
      %dma_wait3A_470 = tpu.memref_slice %arg6[%dma_wait3A_469] : memref<20016xf32, #tpu.memory_space<vmem>> -> memref<5000xf32, #tpu.memory_space<vmem>>
      %dma_wait3A_471 = tpu.memref_slice %arg4[%add3A_169] : memref<5120000xf32, #tpu.memory_space<hbm>> -> memref<5000xf32, #tpu.memory_space<hbm>>
      %dma_wait3A_472 = tpu.memref_slice %arg4[%add3A_169] : memref<5120000xf32, #tpu.memory_space<hbm>> -> memref<5000xf32, #tpu.memory_space<hbm>>
      %dma_wait3A_473 = arith.constant 5000 : i32
      %dma_wait3A_474 = tpu.memref_slice %arg6[%dma_wait3A_473] : memref<20016xf32, #tpu.memory_space<vmem>> -> memref<5000xf32, #tpu.memory_space<vmem>>
      tpu.wait_dma2 semaphore(%arg7 : memref<!tpu.dma_semaphore, #tpu.memory_space<semaphore_mem>>) src(%dma_wait3A_474 : memref<5000xf32, #tpu.memory_space<vmem>>) dst(%dma_wait3A_472 : memref<5000xf32, #tpu.memory_space<hbm>>)
      %dma_wait3A_475 = arith.constant 5000 : i32
      %dma_wait3A_476 = tpu.memref_slice %arg6[%dma_wait3A_475] : memref<20016xf32, #tpu.memory_space<vmem>> -> memref<5000xf32, #tpu.memory_space<vmem>>
      %dma_wait3A_477 = tpu.memref_slice %arg4[%add3A_181] : memref<5120000xf32, #tpu.memory_space<hbm>> -> memref<5000xf32, #tpu.memory_space<hbm>>
      %dma_wait3A_478 = tpu.memref_slice %arg4[%add3A_181] : memref<5120000xf32, #tpu.memory_space<hbm>> -> memref<5000xf32, #tpu.memory_space<hbm>>
      %dma_wait3A_479 = arith.constant 5000 : i32
      %dma_wait3A_480 = tpu.memref_slice %arg6[%dma_wait3A_479] : memref<20016xf32, #tpu.memory_space<vmem>> -> memref<5000xf32, #tpu.memory_space<vmem>>
      tpu.wait_dma2 semaphore(%arg7 : memref<!tpu.dma_semaphore, #tpu.memory_space<semaphore_mem>>) src(%dma_wait3A_480 : memref<5000xf32, #tpu.memory_space<vmem>>) dst(%dma_wait3A_478 : memref<5000xf32, #tpu.memory_space<hbm>>)
      %dma_wait3A_481 = arith.constant 5000 : i32
      %dma_wait3A_482 = tpu.memref_slice %arg6[%dma_wait3A_481] : memref<20016xf32, #tpu.memory_space<vmem>> -> memref<5000xf32, #tpu.memory_space<vmem>>
      %dma_wait3A_483 = tpu.memref_slice %arg4[%add3A_193] : memref<5120000xf32, #tpu.memory_space<hbm>> -> memref<5000xf32, #tpu.memory_space<hbm>>
      %dma_wait3A_484 = tpu.memref_slice %arg4[%add3A_193] : memref<5120000xf32, #tpu.memory_space<hbm>> -> memref<5000xf32, #tpu.memory_space<hbm>>
      %dma_wait3A_485 = arith.constant 5000 : i32
      %dma_wait3A_486 = tpu.memref_slice %arg6[%dma_wait3A_485] : memref<20016xf32, #tpu.memory_space<vmem>> -> memref<5000xf32, #tpu.memory_space<vmem>>
      tpu.wait_dma2 semaphore(%arg7 : memref<!tpu.dma_semaphore, #tpu.memory_space<semaphore_mem>>) src(%dma_wait3A_486 : memref<5000xf32, #tpu.memory_space<vmem>>) dst(%dma_wait3A_484 : memref<5000xf32, #tpu.memory_space<hbm>>)
      %dma_wait3A_487 = arith.constant 10000 : i32
      %dma_wait3A_488 = tpu.memref_slice %arg6[%dma_wait3A_487] : memref<20016xf32, #tpu.memory_space<vmem>> -> memref<5000xf32, #tpu.memory_space<vmem>>
      %dma_wait3A_489 = tpu.memref_slice %arg4[%add3A_205] : memref<5120000xf32, #tpu.memory_space<hbm>> -> memref<5000xf32, #tpu.memory_space<hbm>>
      %dma_wait3A_490 = tpu.memref_slice %arg4[%add3A_205] : memref<5120000xf32, #tpu.memory_space<hbm>> -> memref<5000xf32, #tpu.memory_space<hbm>>
      %dma_wait3A_491 = arith.constant 10000 : i32
      %dma_wait3A_492 = tpu.memref_slice %arg6[%dma_wait3A_491] : memref<20016xf32, #tpu.memory_space<vmem>> -> memref<5000xf32, #tpu.memory_space<vmem>>
      tpu.wait_dma2 semaphore(%arg7 : memref<!tpu.dma_semaphore, #tpu.memory_space<semaphore_mem>>) src(%dma_wait3A_492 : memref<5000xf32, #tpu.memory_space<vmem>>) dst(%dma_wait3A_490 : memref<5000xf32, #tpu.memory_space<hbm>>)
      %dma_wait3A_493 = arith.constant 10000 : i32
      %dma_wait3A_494 = tpu.memref_slice %arg6[%dma_wait3A_493] : memref<20016xf32, #tpu.memory_space<vmem>> -> memref<5000xf32, #tpu.memory_space<vmem>>
      %dma_wait3A_495 = tpu.memref_slice %arg4[%add3A_217] : memref<5120000xf32, #tpu.memory_space<hbm>> -> memref<5000xf32, #tpu.memory_space<hbm>>
      %dma_wait3A_496 = tpu.memref_slice %arg4[%add3A_217] : memref<5120000xf32, #tpu.memory_space<hbm>> -> memref<5000xf32, #tpu.memory_space<hbm>>
      %dma_wait3A_497 = arith.constant 10000 : i32
      %dma_wait3A_498 = tpu.memref_slice %arg6[%dma_wait3A_497] : memref<20016xf32, #tpu.memory_space<vmem>> -> memref<5000xf32, #tpu.memory_space<vmem>>
      tpu.wait_dma2 semaphore(%arg7 : memref<!tpu.dma_semaphore, #tpu.memory_space<semaphore_mem>>) src(%dma_wait3A_498 : memref<5000xf32, #tpu.memory_space<vmem>>) dst(%dma_wait3A_496 : memref<5000xf32, #tpu.memory_space<hbm>>)
      %dma_wait3A_499 = arith.constant 10000 : i32
      %dma_wait3A_500 = tpu.memref_slice %arg6[%dma_wait3A_499] : memref<20016xf32, #tpu.memory_space<vmem>> -> memref<5000xf32, #tpu.memory_space<vmem>>
      %dma_wait3A_501 = tpu.memref_slice %arg4[%add3A_229] : memref<5120000xf32, #tpu.memory_space<hbm>> -> memref<5000xf32, #tpu.memory_space<hbm>>
      %dma_wait3A_502 = tpu.memref_slice %arg4[%add3A_229] : memref<5120000xf32, #tpu.memory_space<hbm>> -> memref<5000xf32, #tpu.memory_space<hbm>>
      %dma_wait3A_503 = arith.constant 10000 : i32
      %dma_wait3A_504 = tpu.memref_slice %arg6[%dma_wait3A_503] : memref<20016xf32, #tpu.memory_space<vmem>> -> memref<5000xf32, #tpu.memory_space<vmem>>
      tpu.wait_dma2 semaphore(%arg7 : memref<!tpu.dma_semaphore, #tpu.memory_space<semaphore_mem>>) src(%dma_wait3A_504 : memref<5000xf32, #tpu.memory_space<vmem>>) dst(%dma_wait3A_502 : memref<5000xf32, #tpu.memory_space<hbm>>)
      %dma_wait3A_505 = arith.constant 10000 : i32
      %dma_wait3A_506 = tpu.memref_slice %arg6[%dma_wait3A_505] : memref<20016xf32, #tpu.memory_space<vmem>> -> memref<5000xf32, #tpu.memory_space<vmem>>
      %dma_wait3A_507 = tpu.memref_slice %arg4[%add3A_241] : memref<5120000xf32, #tpu.memory_space<hbm>> -> memref<5000xf32, #tpu.memory_space<hbm>>
      %dma_wait3A_508 = tpu.memref_slice %arg4[%add3A_241] : memref<5120000xf32, #tpu.memory_space<hbm>> -> memref<5000xf32, #tpu.memory_space<hbm>>
      %dma_wait3A_509 = arith.constant 10000 : i32
      %dma_wait3A_510 = tpu.memref_slice %arg6[%dma_wait3A_509] : memref<20016xf32, #tpu.memory_space<vmem>> -> memref<5000xf32, #tpu.memory_space<vmem>>
      tpu.wait_dma2 semaphore(%arg7 : memref<!tpu.dma_semaphore, #tpu.memory_space<semaphore_mem>>) src(%dma_wait3A_510 : memref<5000xf32, #tpu.memory_space<vmem>>) dst(%dma_wait3A_508 : memref<5000xf32, #tpu.memory_space<hbm>>)
      %dma_wait3A_511 = arith.constant 10000 : i32
      %dma_wait3A_512 = tpu.memref_slice %arg6[%dma_wait3A_511] : memref<20016xf32, #tpu.memory_space<vmem>> -> memref<5000xf32, #tpu.memory_space<vmem>>
      %dma_wait3A_513 = tpu.memref_slice %arg4[%add3A_253] : memref<5120000xf32, #tpu.memory_space<hbm>> -> memref<5000xf32, #tpu.memory_space<hbm>>
      %dma_wait3A_514 = tpu.memref_slice %arg4[%add3A_253] : memref<5120000xf32, #tpu.memory_space<hbm>> -> memref<5000xf32, #tpu.memory_space<hbm>>
      %dma_wait3A_515 = arith.constant 10000 : i32
      %dma_wait3A_516 = tpu.memref_slice %arg6[%dma_wait3A_515] : memref<20016xf32, #tpu.memory_space<vmem>> -> memref<5000xf32, #tpu.memory_space<vmem>>
      tpu.wait_dma2 semaphore(%arg7 : memref<!tpu.dma_semaphore, #tpu.memory_space<semaphore_mem>>) src(%dma_wait3A_516 : memref<5000xf32, #tpu.memory_space<vmem>>) dst(%dma_wait3A_514 : memref<5000xf32, #tpu.memory_space<hbm>>)
      %dma_wait3A_517 = arith.constant 10000 : i32
      %dma_wait3A_518 = tpu.memref_slice %arg6[%dma_wait3A_517] : memref<20016xf32, #tpu.memory_space<vmem>> -> memref<5000xf32, #tpu.memory_space<vmem>>
      %dma_wait3A_519 = tpu.memref_slice %arg4[%add3A_265] : memref<5120000xf32, #tpu.memory_space<hbm>> -> memref<5000xf32, #tpu.memory_space<hbm>>
      %dma_wait3A_520 = tpu.memref_slice %arg4[%add3A_265] : memref<5120000xf32, #tpu.memory_space<hbm>> -> memref<5000xf32, #tpu.memory_space<hbm>>
      %dma_wait3A_521 = arith.constant 10000 : i32
      %dma_wait3A_522 = tpu.memref_slice %arg6[%dma_wait3A_521] : memref<20016xf32, #tpu.memory_space<vmem>> -> memref<5000xf32, #tpu.memory_space<vmem>>
      tpu.wait_dma2 semaphore(%arg7 : memref<!tpu.dma_semaphore, #tpu.memory_space<semaphore_mem>>) src(%dma_wait3A_522 : memref<5000xf32, #tpu.memory_space<vmem>>) dst(%dma_wait3A_520 : memref<5000xf32, #tpu.memory_space<hbm>>)
      %dma_wait3A_523 = arith.constant 10000 : i32
      %dma_wait3A_524 = tpu.memref_slice %arg6[%dma_wait3A_523] : memref<20016xf32, #tpu.memory_space<vmem>> -> memref<5000xf32, #tpu.memory_space<vmem>>
      %dma_wait3A_525 = tpu.memref_slice %arg4[%add3A_277] : memref<5120000xf32, #tpu.memory_space<hbm>> -> memref<5000xf32, #tpu.memory_space<hbm>>
      %dma_wait3A_526 = tpu.memref_slice %arg4[%add3A_277] : memref<5120000xf32, #tpu.memory_space<hbm>> -> memref<5000xf32, #tpu.memory_space<hbm>>
      %dma_wait3A_527 = arith.constant 10000 : i32
      %dma_wait3A_528 = tpu.memref_slice %arg6[%dma_wait3A_527] : memref<20016xf32, #tpu.memory_space<vmem>> -> memref<5000xf32, #tpu.memory_space<vmem>>
      tpu.wait_dma2 semaphore(%arg7 : memref<!tpu.dma_semaphore, #tpu.memory_space<semaphore_mem>>) src(%dma_wait3A_528 : memref<5000xf32, #tpu.memory_space<vmem>>) dst(%dma_wait3A_526 : memref<5000xf32, #tpu.memory_space<hbm>>)
      %dma_wait3A_529 = arith.constant 10000 : i32
      %dma_wait3A_530 = tpu.memref_slice %arg6[%dma_wait3A_529] : memref<20016xf32, #tpu.memory_space<vmem>> -> memref<5000xf32, #tpu.memory_space<vmem>>
      %dma_wait3A_531 = tpu.memref_slice %arg4[%add3A_289] : memref<5120000xf32, #tpu.memory_space<hbm>> -> memref<5000xf32, #tpu.memory_space<hbm>>
      %dma_wait3A_532 = tpu.memref_slice %arg4[%add3A_289] : memref<5120000xf32, #tpu.memory_space<hbm>> -> memref<5000xf32, #tpu.memory_space<hbm>>
      %dma_wait3A_533 = arith.constant 10000 : i32
      %dma_wait3A_534 = tpu.memref_slice %arg6[%dma_wait3A_533] : memref<20016xf32, #tpu.memory_space<vmem>> -> memref<5000xf32, #tpu.memory_space<vmem>>
      tpu.wait_dma2 semaphore(%arg7 : memref<!tpu.dma_semaphore, #tpu.memory_space<semaphore_mem>>) src(%dma_wait3A_534 : memref<5000xf32, #tpu.memory_space<vmem>>) dst(%dma_wait3A_532 : memref<5000xf32, #tpu.memory_space<hbm>>)
      %dma_wait3A_535 = arith.constant 15000 : i32
      %dma_wait3A_536 = tpu.memref_slice %arg6[%dma_wait3A_535] : memref<20016xf32, #tpu.memory_space<vmem>> -> memref<5000xf32, #tpu.memory_space<vmem>>
      %dma_wait3A_537 = tpu.memref_slice %arg4[%add3A_301] : memref<5120000xf32, #tpu.memory_space<hbm>> -> memref<5000xf32, #tpu.memory_space<hbm>>
      %dma_wait3A_538 = tpu.memref_slice %arg4[%add3A_301] : memref<5120000xf32, #tpu.memory_space<hbm>> -> memref<5000xf32, #tpu.memory_space<hbm>>
      %dma_wait3A_539 = arith.constant 15000 : i32
      %dma_wait3A_540 = tpu.memref_slice %arg6[%dma_wait3A_539] : memref<20016xf32, #tpu.memory_space<vmem>> -> memref<5000xf32, #tpu.memory_space<vmem>>
      tpu.wait_dma2 semaphore(%arg7 : memref<!tpu.dma_semaphore, #tpu.memory_space<semaphore_mem>>) src(%dma_wait3A_540 : memref<5000xf32, #tpu.memory_space<vmem>>) dst(%dma_wait3A_538 : memref<5000xf32, #tpu.memory_space<hbm>>)
      %dma_wait3A_541 = arith.constant 15000 : i32
      %dma_wait3A_542 = tpu.memref_slice %arg6[%dma_wait3A_541] : memref<20016xf32, #tpu.memory_space<vmem>> -> memref<5000xf32, #tpu.memory_space<vmem>>
      %dma_wait3A_543 = tpu.memref_slice %arg4[%add3A_313] : memref<5120000xf32, #tpu.memory_space<hbm>> -> memref<5000xf32, #tpu.memory_space<hbm>>
      %dma_wait3A_544 = tpu.memref_slice %arg4[%add3A_313] : memref<5120000xf32, #tpu.memory_space<hbm>> -> memref<5000xf32, #tpu.memory_space<hbm>>
      %dma_wait3A_545 = arith.constant 15000 : i32
      %dma_wait3A_546 = tpu.memref_slice %arg6[%dma_wait3A_545] : memref<20016xf32, #tpu.memory_space<vmem>> -> memref<5000xf32, #tpu.memory_space<vmem>>
      tpu.wait_dma2 semaphore(%arg7 : memref<!tpu.dma_semaphore, #tpu.memory_space<semaphore_mem>>) src(%dma_wait3A_546 : memref<5000xf32, #tpu.memory_space<vmem>>) dst(%dma_wait3A_544 : memref<5000xf32, #tpu.memory_space<hbm>>)
      %dma_wait3A_547 = arith.constant 15000 : i32
      %dma_wait3A_548 = tpu.memref_slice %arg6[%dma_wait3A_547] : memref<20016xf32, #tpu.memory_space<vmem>> -> memref<5000xf32, #tpu.memory_space<vmem>>
      %dma_wait3A_549 = tpu.memref_slice %arg4[%add3A_325] : memref<5120000xf32, #tpu.memory_space<hbm>> -> memref<5000xf32, #tpu.memory_space<hbm>>
      %dma_wait3A_550 = tpu.memref_slice %arg4[%add3A_325] : memref<5120000xf32, #tpu.memory_space<hbm>> -> memref<5000xf32, #tpu.memory_space<hbm>>
      %dma_wait3A_551 = arith.constant 15000 : i32
      %dma_wait3A_552 = tpu.memref_slice %arg6[%dma_wait3A_551] : memref<20016xf32, #tpu.memory_space<vmem>> -> memref<5000xf32, #tpu.memory_space<vmem>>
      tpu.wait_dma2 semaphore(%arg7 : memref<!tpu.dma_semaphore, #tpu.memory_space<semaphore_mem>>) src(%dma_wait3A_552 : memref<5000xf32, #tpu.memory_space<vmem>>) dst(%dma_wait3A_550 : memref<5000xf32, #tpu.memory_space<hbm>>)
      %dma_wait3A_553 = arith.constant 15000 : i32
      %dma_wait3A_554 = tpu.memref_slice %arg6[%dma_wait3A_553] : memref<20016xf32, #tpu.memory_space<vmem>> -> memref<5000xf32, #tpu.memory_space<vmem>>
      %dma_wait3A_555 = tpu.memref_slice %arg4[%add3A_337] : memref<5120000xf32, #tpu.memory_space<hbm>> -> memref<5000xf32, #tpu.memory_space<hbm>>
      %dma_wait3A_556 = tpu.memref_slice %arg4[%add3A_337] : memref<5120000xf32, #tpu.memory_space<hbm>> -> memref<5000xf32, #tpu.memory_space<hbm>>
      %dma_wait3A_557 = arith.constant 15000 : i32
      %dma_wait3A_558 = tpu.memref_slice %arg6[%dma_wait3A_557] : memref<20016xf32, #tpu.memory_space<vmem>> -> memref<5000xf32, #tpu.memory_space<vmem>>
      tpu.wait_dma2 semaphore(%arg7 : memref<!tpu.dma_semaphore, #tpu.memory_space<semaphore_mem>>) src(%dma_wait3A_558 : memref<5000xf32, #tpu.memory_space<vmem>>) dst(%dma_wait3A_556 : memref<5000xf32, #tpu.memory_space<hbm>>)
      %dma_wait3A_559 = arith.constant 15000 : i32
      %dma_wait3A_560 = tpu.memref_slice %arg6[%dma_wait3A_559] : memref<20016xf32, #tpu.memory_space<vmem>> -> memref<5000xf32, #tpu.memory_space<vmem>>
      %dma_wait3A_561 = tpu.memref_slice %arg4[%add3A_349] : memref<5120000xf32, #tpu.memory_space<hbm>> -> memref<5000xf32, #tpu.memory_space<hbm>>
      %dma_wait3A_562 = tpu.memref_slice %arg4[%add3A_349] : memref<5120000xf32, #tpu.memory_space<hbm>> -> memref<5000xf32, #tpu.memory_space<hbm>>
      %dma_wait3A_563 = arith.constant 15000 : i32
      %dma_wait3A_564 = tpu.memref_slice %arg6[%dma_wait3A_563] : memref<20016xf32, #tpu.memory_space<vmem>> -> memref<5000xf32, #tpu.memory_space<vmem>>
      tpu.wait_dma2 semaphore(%arg7 : memref<!tpu.dma_semaphore, #tpu.memory_space<semaphore_mem>>) src(%dma_wait3A_564 : memref<5000xf32, #tpu.memory_space<vmem>>) dst(%dma_wait3A_562 : memref<5000xf32, #tpu.memory_space<hbm>>)
      %dma_wait3A_565 = arith.constant 15000 : i32
      %dma_wait3A_566 = tpu.memref_slice %arg6[%dma_wait3A_565] : memref<20016xf32, #tpu.memory_space<vmem>> -> memref<5000xf32, #tpu.memory_space<vmem>>
      %dma_wait3A_567 = tpu.memref_slice %arg4[%add3A_361] : memref<5120000xf32, #tpu.memory_space<hbm>> -> memref<5000xf32, #tpu.memory_space<hbm>>
      %dma_wait3A_568 = tpu.memref_slice %arg4[%add3A_361] : memref<5120000xf32, #tpu.memory_space<hbm>> -> memref<5000xf32, #tpu.memory_space<hbm>>
      %dma_wait3A_569 = arith.constant 15000 : i32
      %dma_wait3A_570 = tpu.memref_slice %arg6[%dma_wait3A_569] : memref<20016xf32, #tpu.memory_space<vmem>> -> memref<5000xf32, #tpu.memory_space<vmem>>
      tpu.wait_dma2 semaphore(%arg7 : memref<!tpu.dma_semaphore, #tpu.memory_space<semaphore_mem>>) src(%dma_wait3A_570 : memref<5000xf32, #tpu.memory_space<vmem>>) dst(%dma_wait3A_568 : memref<5000xf32, #tpu.memory_space<hbm>>)
      %dma_wait3A_571 = arith.constant 15000 : i32
      %dma_wait3A_572 = tpu.memref_slice %arg6[%dma_wait3A_571] : memref<20016xf32, #tpu.memory_space<vmem>> -> memref<5000xf32, #tpu.memory_space<vmem>>
      %dma_wait3A_573 = tpu.memref_slice %arg4[%add3A_373] : memref<5120000xf32, #tpu.memory_space<hbm>> -> memref<5000xf32, #tpu.memory_space<hbm>>
      %dma_wait3A_574 = tpu.memref_slice %arg4[%add3A_373] : memref<5120000xf32, #tpu.memory_space<hbm>> -> memref<5000xf32, #tpu.memory_space<hbm>>
      %dma_wait3A_575 = arith.constant 15000 : i32
      %dma_wait3A_576 = tpu.memref_slice %arg6[%dma_wait3A_575] : memref<20016xf32, #tpu.memory_space<vmem>> -> memref<5000xf32, #tpu.memory_space<vmem>>
      tpu.wait_dma2 semaphore(%arg7 : memref<!tpu.dma_semaphore, #tpu.memory_space<semaphore_mem>>) src(%dma_wait3A_576 : memref<5000xf32, #tpu.memory_space<vmem>>) dst(%dma_wait3A_574 : memref<5000xf32, #tpu.memory_space<hbm>>)
      %dma_wait3A_577 = arith.constant 15000 : i32
      %dma_wait3A_578 = tpu.memref_slice %arg6[%dma_wait3A_577] : memref<20016xf32, #tpu.memory_space<vmem>> -> memref<5000xf32, #tpu.memory_space<vmem>>
      %dma_wait3A_579 = tpu.memref_slice %arg4[%add3A_385] : memref<5120000xf32, #tpu.memory_space<hbm>> -> memref<5000xf32, #tpu.memory_space<hbm>>
      %dma_wait3A_580 = tpu.memref_slice %arg4[%add3A_385] : memref<5120000xf32, #tpu.memory_space<hbm>> -> memref<5000xf32, #tpu.memory_space<hbm>>
      %dma_wait3A_581 = arith.constant 15000 : i32
      %dma_wait3A_582 = tpu.memref_slice %arg6[%dma_wait3A_581] : memref<20016xf32, #tpu.memory_space<vmem>> -> memref<5000xf32, #tpu.memory_space<vmem>>
      tpu.wait_dma2 semaphore(%arg7 : memref<!tpu.dma_semaphore, #tpu.memory_space<semaphore_mem>>) src(%dma_wait3A_582 : memref<5000xf32, #tpu.memory_space<vmem>>) dst(%dma_wait3A_580 : memref<5000xf32, #tpu.memory_space<hbm>>)
    } else {
    }
    %ge3A = arith.constant 128 : i32
    %ge3A_5 = arith.cmpi sge, %mul3A_2, %ge3A : i32
    %convert_element_type3A_6 = arith.extui %ge3A_5 : i1 to i32
    %cond3A_7 = arith.constant 0 : i32
    %cond3A_8 = arith.cmpi ne, %convert_element_type3A_6, %cond3A_7 : i32
    scf.if %cond3A_8 {
      %mul3A_9 = arith.constant 2500 : i32
      %mul3A_10 = arith.muli %mul3A_2, %mul3A_9 : i32
      %add3A_11 = arith.constant 0 : i32
      %add3A_12 = arith.addi %add3A_11, %mul3A_10 : i32
      %add3A_13 = arith.constant 0 : i32
      %add3A_14 = arith.addi %add3A_12, %add3A_13 : i32
      %dma_start3A = arith.constant 0 : i32
      %dma_start3A_15 = tpu.memref_slice %arg6[%dma_start3A] : memref<20016xf32, #tpu.memory_space<vmem>> -> memref<5000xf32, #tpu.memory_space<vmem>>
      %dma_start3A_16 = tpu.memref_slice %arg4[%add3A_14] : memref<5120000xf32, #tpu.memory_space<hbm>> -> memref<5000xf32, #tpu.memory_space<hbm>>
      %dma_start3A_17 = tpu.memref_slice %arg4[%add3A_14] : memref<5120000xf32, #tpu.memory_space<hbm>> -> memref<5000xf32, #tpu.memory_space<hbm>>
      %dma_start3A_18 = arith.constant 0 : i32
      %dma_start3A_19 = tpu.memref_slice %arg6[%dma_start3A_18] : memref<20016xf32, #tpu.memory_space<vmem>> -> memref<5000xf32, #tpu.memory_space<vmem>>
      tpu.enqueue_dma source(%dma_start3A_19 : memref<5000xf32, #tpu.memory_space<vmem>>) target(%dma_start3A_17 : memref<5000xf32, #tpu.memory_space<hbm>>) target_semaphore(%arg7 : memref<!tpu.dma_semaphore, #tpu.memory_space<semaphore_mem>>)
      %mul3A_20 = arith.constant 2500 : i32
      %mul3A_21 = arith.muli %mul3A_2, %mul3A_20 : i32
      %add3A_22 = arith.constant 640000 : i32
      %add3A_23 = arith.addi %add3A_22, %mul3A_21 : i32
      %add3A_24 = arith.constant 0 : i32
      %add3A_25 = arith.addi %add3A_23, %add3A_24 : i32
      %dma_start3A_26 = arith.constant 0 : i32
      %dma_start3A_27 = tpu.memref_slice %arg6[%dma_start3A_26] : memref<20016xf32, #tpu.memory_space<vmem>> -> memref<5000xf32, #tpu.memory_space<vmem>>
      %dma_start3A_28 = tpu.memref_slice %arg4[%add3A_25] : memref<5120000xf32, #tpu.memory_space<hbm>> -> memref<5000xf32, #tpu.memory_space<hbm>>
      %dma_start3A_29 = tpu.memref_slice %arg4[%add3A_25] : memref<5120000xf32, #tpu.memory_space<hbm>> -> memref<5000xf32, #tpu.memory_space<hbm>>
      %dma_start3A_30 = arith.constant 0 : i32
      %dma_start3A_31 = tpu.memref_slice %arg6[%dma_start3A_30] : memref<20016xf32, #tpu.memory_space<vmem>> -> memref<5000xf32, #tpu.memory_space<vmem>>
      tpu.enqueue_dma source(%dma_start3A_31 : memref<5000xf32, #tpu.memory_space<vmem>>) target(%dma_start3A_29 : memref<5000xf32, #tpu.memory_space<hbm>>) target_semaphore(%arg7 : memref<!tpu.dma_semaphore, #tpu.memory_space<semaphore_mem>>)
      %mul3A_32 = arith.constant 2500 : i32
      %mul3A_33 = arith.muli %mul3A_2, %mul3A_32 : i32
      %add3A_34 = arith.constant 1280000 : i32
      %add3A_35 = arith.addi %add3A_34, %mul3A_33 : i32
      %add3A_36 = arith.constant 0 : i32
      %add3A_37 = arith.addi %add3A_35, %add3A_36 : i32
      %dma_start3A_38 = arith.constant 0 : i32
      %dma_start3A_39 = tpu.memref_slice %arg6[%dma_start3A_38] : memref<20016xf32, #tpu.memory_space<vmem>> -> memref<5000xf32, #tpu.memory_space<vmem>>
      %dma_start3A_40 = tpu.memref_slice %arg4[%add3A_37] : memref<5120000xf32, #tpu.memory_space<hbm>> -> memref<5000xf32, #tpu.memory_space<hbm>>
      %dma_start3A_41 = tpu.memref_slice %arg4[%add3A_37] : memref<5120000xf32, #tpu.memory_space<hbm>> -> memref<5000xf32, #tpu.memory_space<hbm>>
      %dma_start3A_42 = arith.constant 0 : i32
      %dma_start3A_43 = tpu.memref_slice %arg6[%dma_start3A_42] : memref<20016xf32, #tpu.memory_space<vmem>> -> memref<5000xf32, #tpu.memory_space<vmem>>
      tpu.enqueue_dma source(%dma_start3A_43 : memref<5000xf32, #tpu.memory_space<vmem>>) target(%dma_start3A_41 : memref<5000xf32, #tpu.memory_space<hbm>>) target_semaphore(%arg7 : memref<!tpu.dma_semaphore, #tpu.memory_space<semaphore_mem>>)
      %mul3A_44 = arith.constant 2500 : i32
      %mul3A_45 = arith.muli %mul3A_2, %mul3A_44 : i32
      %add3A_46 = arith.constant 1920000 : i32
      %add3A_47 = arith.addi %add3A_46, %mul3A_45 : i32
      %add3A_48 = arith.constant 0 : i32
      %add3A_49 = arith.addi %add3A_47, %add3A_48 : i32
      %dma_start3A_50 = arith.constant 0 : i32
      %dma_start3A_51 = tpu.memref_slice %arg6[%dma_start3A_50] : memref<20016xf32, #tpu.memory_space<vmem>> -> memref<5000xf32, #tpu.memory_space<vmem>>
      %dma_start3A_52 = tpu.memref_slice %arg4[%add3A_49] : memref<5120000xf32, #tpu.memory_space<hbm>> -> memref<5000xf32, #tpu.memory_space<hbm>>
      %dma_start3A_53 = tpu.memref_slice %arg4[%add3A_49] : memref<5120000xf32, #tpu.memory_space<hbm>> -> memref<5000xf32, #tpu.memory_space<hbm>>
      %dma_start3A_54 = arith.constant 0 : i32
      %dma_start3A_55 = tpu.memref_slice %arg6[%dma_start3A_54] : memref<20016xf32, #tpu.memory_space<vmem>> -> memref<5000xf32, #tpu.memory_space<vmem>>
      tpu.enqueue_dma source(%dma_start3A_55 : memref<5000xf32, #tpu.memory_space<vmem>>) target(%dma_start3A_53 : memref<5000xf32, #tpu.memory_space<hbm>>) target_semaphore(%arg7 : memref<!tpu.dma_semaphore, #tpu.memory_space<semaphore_mem>>)
      %mul3A_56 = arith.constant 2500 : i32
      %mul3A_57 = arith.muli %mul3A_2, %mul3A_56 : i32
      %add3A_58 = arith.constant 2560000 : i32
      %add3A_59 = arith.addi %add3A_58, %mul3A_57 : i32
      %add3A_60 = arith.constant 0 : i32
      %add3A_61 = arith.addi %add3A_59, %add3A_60 : i32
      %dma_start3A_62 = arith.constant 0 : i32
      %dma_start3A_63 = tpu.memref_slice %arg6[%dma_start3A_62] : memref<20016xf32, #tpu.memory_space<vmem>> -> memref<5000xf32, #tpu.memory_space<vmem>>
      %dma_start3A_64 = tpu.memref_slice %arg4[%add3A_61] : memref<5120000xf32, #tpu.memory_space<hbm>> -> memref<5000xf32, #tpu.memory_space<hbm>>
      %dma_start3A_65 = tpu.memref_slice %arg4[%add3A_61] : memref<5120000xf32, #tpu.memory_space<hbm>> -> memref<5000xf32, #tpu.memory_space<hbm>>
      %dma_start3A_66 = arith.constant 0 : i32
      %dma_start3A_67 = tpu.memref_slice %arg6[%dma_start3A_66] : memref<20016xf32, #tpu.memory_space<vmem>> -> memref<5000xf32, #tpu.memory_space<vmem>>
      tpu.enqueue_dma source(%dma_start3A_67 : memref<5000xf32, #tpu.memory_space<vmem>>) target(%dma_start3A_65 : memref<5000xf32, #tpu.memory_space<hbm>>) target_semaphore(%arg7 : memref<!tpu.dma_semaphore, #tpu.memory_space<semaphore_mem>>)
      %mul3A_68 = arith.constant 2500 : i32
      %mul3A_69 = arith.muli %mul3A_2, %mul3A_68 : i32
      %add3A_70 = arith.constant 3200000 : i32
      %add3A_71 = arith.addi %add3A_70, %mul3A_69 : i32
      %add3A_72 = arith.constant 0 : i32
      %add3A_73 = arith.addi %add3A_71, %add3A_72 : i32
      %dma_start3A_74 = arith.constant 0 : i32
      %dma_start3A_75 = tpu.memref_slice %arg6[%dma_start3A_74] : memref<20016xf32, #tpu.memory_space<vmem>> -> memref<5000xf32, #tpu.memory_space<vmem>>
      %dma_start3A_76 = tpu.memref_slice %arg4[%add3A_73] : memref<5120000xf32, #tpu.memory_space<hbm>> -> memref<5000xf32, #tpu.memory_space<hbm>>
      %dma_start3A_77 = tpu.memref_slice %arg4[%add3A_73] : memref<5120000xf32, #tpu.memory_space<hbm>> -> memref<5000xf32, #tpu.memory_space<hbm>>
      %dma_start3A_78 = arith.constant 0 : i32
      %dma_start3A_79 = tpu.memref_slice %arg6[%dma_start3A_78] : memref<20016xf32, #tpu.memory_space<vmem>> -> memref<5000xf32, #tpu.memory_space<vmem>>
      tpu.enqueue_dma source(%dma_start3A_79 : memref<5000xf32, #tpu.memory_space<vmem>>) target(%dma_start3A_77 : memref<5000xf32, #tpu.memory_space<hbm>>) target_semaphore(%arg7 : memref<!tpu.dma_semaphore, #tpu.memory_space<semaphore_mem>>)
      %mul3A_80 = arith.constant 2500 : i32
      %mul3A_81 = arith.muli %mul3A_2, %mul3A_80 : i32
      %add3A_82 = arith.constant 3840000 : i32
      %add3A_83 = arith.addi %add3A_82, %mul3A_81 : i32
      %add3A_84 = arith.constant 0 : i32
      %add3A_85 = arith.addi %add3A_83, %add3A_84 : i32
      %dma_start3A_86 = arith.constant 0 : i32
      %dma_start3A_87 = tpu.memref_slice %arg6[%dma_start3A_86] : memref<20016xf32, #tpu.memory_space<vmem>> -> memref<5000xf32, #tpu.memory_space<vmem>>
      %dma_start3A_88 = tpu.memref_slice %arg4[%add3A_85] : memref<5120000xf32, #tpu.memory_space<hbm>> -> memref<5000xf32, #tpu.memory_space<hbm>>
      %dma_start3A_89 = tpu.memref_slice %arg4[%add3A_85] : memref<5120000xf32, #tpu.memory_space<hbm>> -> memref<5000xf32, #tpu.memory_space<hbm>>
      %dma_start3A_90 = arith.constant 0 : i32
      %dma_start3A_91 = tpu.memref_slice %arg6[%dma_start3A_90] : memref<20016xf32, #tpu.memory_space<vmem>> -> memref<5000xf32, #tpu.memory_space<vmem>>
      tpu.enqueue_dma source(%dma_start3A_91 : memref<5000xf32, #tpu.memory_space<vmem>>) target(%dma_start3A_89 : memref<5000xf32, #tpu.memory_space<hbm>>) target_semaphore(%arg7 : memref<!tpu.dma_semaphore, #tpu.memory_space<semaphore_mem>>)
      %mul3A_92 = arith.constant 2500 : i32
      %mul3A_93 = arith.muli %mul3A_2, %mul3A_92 : i32
      %add3A_94 = arith.constant 4480000 : i32
      %add3A_95 = arith.addi %add3A_94, %mul3A_93 : i32
      %add3A_96 = arith.constant 0 : i32
      %add3A_97 = arith.addi %add3A_95, %add3A_96 : i32
      %dma_start3A_98 = arith.constant 0 : i32
      %dma_start3A_99 = tpu.memref_slice %arg6[%dma_start3A_98] : memref<20016xf32, #tpu.memory_space<vmem>> -> memref<5000xf32, #tpu.memory_space<vmem>>
      %dma_start3A_100 = tpu.memref_slice %arg4[%add3A_97] : memref<5120000xf32, #tpu.memory_space<hbm>> -> memref<5000xf32, #tpu.memory_space<hbm>>
      %dma_start3A_101 = tpu.memref_slice %arg4[%add3A_97] : memref<5120000xf32, #tpu.memory_space<hbm>> -> memref<5000xf32, #tpu.memory_space<hbm>>
      %dma_start3A_102 = arith.constant 0 : i32
      %dma_start3A_103 = tpu.memref_slice %arg6[%dma_start3A_102] : memref<20016xf32, #tpu.memory_space<vmem>> -> memref<5000xf32, #tpu.memory_space<vmem>>
      tpu.enqueue_dma source(%dma_start3A_103 : memref<5000xf32, #tpu.memory_space<vmem>>) target(%dma_start3A_101 : memref<5000xf32, #tpu.memory_space<hbm>>) target_semaphore(%arg7 : memref<!tpu.dma_semaphore, #tpu.memory_space<semaphore_mem>>)
      %mul3A_104 = arith.constant 2500 : i32
      %mul3A_105 = arith.muli %mul3A_2, %mul3A_104 : i32
      %add3A_106 = arith.constant 0 : i32
      %add3A_107 = arith.addi %add3A_106, %mul3A_105 : i32
      %add3A_108 = arith.constant 5000 : i32
      %add3A_109 = arith.addi %add3A_107, %add3A_108 : i32
      %dma_start3A_110 = arith.constant 5000 : i32
      %dma_start3A_111 = tpu.memref_slice %arg6[%dma_start3A_110] : memref<20016xf32, #tpu.memory_space<vmem>> -> memref<5000xf32, #tpu.memory_space<vmem>>
      %dma_start3A_112 = tpu.memref_slice %arg4[%add3A_109] : memref<5120000xf32, #tpu.memory_space<hbm>> -> memref<5000xf32, #tpu.memory_space<hbm>>
      %dma_start3A_113 = tpu.memref_slice %arg4[%add3A_109] : memref<5120000xf32, #tpu.memory_space<hbm>> -> memref<5000xf32, #tpu.memory_space<hbm>>
      %dma_start3A_114 = arith.constant 5000 : i32
      %dma_start3A_115 = tpu.memref_slice %arg6[%dma_start3A_114] : memref<20016xf32, #tpu.memory_space<vmem>> -> memref<5000xf32, #tpu.memory_space<vmem>>
      tpu.enqueue_dma source(%dma_start3A_115 : memref<5000xf32, #tpu.memory_space<vmem>>) target(%dma_start3A_113 : memref<5000xf32, #tpu.memory_space<hbm>>) target_semaphore(%arg7 : memref<!tpu.dma_semaphore, #tpu.memory_space<semaphore_mem>>)
      %mul3A_116 = arith.constant 2500 : i32
      %mul3A_117 = arith.muli %mul3A_2, %mul3A_116 : i32
      %add3A_118 = arith.constant 640000 : i32
      %add3A_119 = arith.addi %add3A_118, %mul3A_117 : i32
      %add3A_120 = arith.constant 5000 : i32
      %add3A_121 = arith.addi %add3A_119, %add3A_120 : i32
      %dma_start3A_122 = arith.constant 5000 : i32
      %dma_start3A_123 = tpu.memref_slice %arg6[%dma_start3A_122] : memref<20016xf32, #tpu.memory_space<vmem>> -> memref<5000xf32, #tpu.memory_space<vmem>>
      %dma_start3A_124 = tpu.memref_slice %arg4[%add3A_121] : memref<5120000xf32, #tpu.memory_space<hbm>> -> memref<5000xf32, #tpu.memory_space<hbm>>
      %dma_start3A_125 = tpu.memref_slice %arg4[%add3A_121] : memref<5120000xf32, #tpu.memory_space<hbm>> -> memref<5000xf32, #tpu.memory_space<hbm>>
      %dma_start3A_126 = arith.constant 5000 : i32
      %dma_start3A_127 = tpu.memref_slice %arg6[%dma_start3A_126] : memref<20016xf32, #tpu.memory_space<vmem>> -> memref<5000xf32, #tpu.memory_space<vmem>>
      tpu.enqueue_dma source(%dma_start3A_127 : memref<5000xf32, #tpu.memory_space<vmem>>) target(%dma_start3A_125 : memref<5000xf32, #tpu.memory_space<hbm>>) target_semaphore(%arg7 : memref<!tpu.dma_semaphore, #tpu.memory_space<semaphore_mem>>)
      %mul3A_128 = arith.constant 2500 : i32
      %mul3A_129 = arith.muli %mul3A_2, %mul3A_128 : i32
      %add3A_130 = arith.constant 1280000 : i32
      %add3A_131 = arith.addi %add3A_130, %mul3A_129 : i32
      %add3A_132 = arith.constant 5000 : i32
      %add3A_133 = arith.addi %add3A_131, %add3A_132 : i32
      %dma_start3A_134 = arith.constant 5000 : i32
      %dma_start3A_135 = tpu.memref_slice %arg6[%dma_start3A_134] : memref<20016xf32, #tpu.memory_space<vmem>> -> memref<5000xf32, #tpu.memory_space<vmem>>
      %dma_start3A_136 = tpu.memref_slice %arg4[%add3A_133] : memref<5120000xf32, #tpu.memory_space<hbm>> -> memref<5000xf32, #tpu.memory_space<hbm>>
      %dma_start3A_137 = tpu.memref_slice %arg4[%add3A_133] : memref<5120000xf32, #tpu.memory_space<hbm>> -> memref<5000xf32, #tpu.memory_space<hbm>>
      %dma_start3A_138 = arith.constant 5000 : i32
      %dma_start3A_139 = tpu.memref_slice %arg6[%dma_start3A_138] : memref<20016xf32, #tpu.memory_space<vmem>> -> memref<5000xf32, #tpu.memory_space<vmem>>
      tpu.enqueue_dma source(%dma_start3A_139 : memref<5000xf32, #tpu.memory_space<vmem>>) target(%dma_start3A_137 : memref<5000xf32, #tpu.memory_space<hbm>>) target_semaphore(%arg7 : memref<!tpu.dma_semaphore, #tpu.memory_space<semaphore_mem>>)
      %mul3A_140 = arith.constant 2500 : i32
      %mul3A_141 = arith.muli %mul3A_2, %mul3A_140 : i32
      %add3A_142 = arith.constant 1920000 : i32
      %add3A_143 = arith.addi %add3A_142, %mul3A_141 : i32
      %add3A_144 = arith.constant 5000 : i32
      %add3A_145 = arith.addi %add3A_143, %add3A_144 : i32
      %dma_start3A_146 = arith.constant 5000 : i32
      %dma_start3A_147 = tpu.memref_slice %arg6[%dma_start3A_146] : memref<20016xf32, #tpu.memory_space<vmem>> -> memref<5000xf32, #tpu.memory_space<vmem>>
      %dma_start3A_148 = tpu.memref_slice %arg4[%add3A_145] : memref<5120000xf32, #tpu.memory_space<hbm>> -> memref<5000xf32, #tpu.memory_space<hbm>>
      %dma_start3A_149 = tpu.memref_slice %arg4[%add3A_145] : memref<5120000xf32, #tpu.memory_space<hbm>> -> memref<5000xf32, #tpu.memory_space<hbm>>
      %dma_start3A_150 = arith.constant 5000 : i32
      %dma_start3A_151 = tpu.memref_slice %arg6[%dma_start3A_150] : memref<20016xf32, #tpu.memory_space<vmem>> -> memref<5000xf32, #tpu.memory_space<vmem>>
      tpu.enqueue_dma source(%dma_start3A_151 : memref<5000xf32, #tpu.memory_space<vmem>>) target(%dma_start3A_149 : memref<5000xf32, #tpu.memory_space<hbm>>) target_semaphore(%arg7 : memref<!tpu.dma_semaphore, #tpu.memory_space<semaphore_mem>>)
      %mul3A_152 = arith.constant 2500 : i32
      %mul3A_153 = arith.muli %mul3A_2, %mul3A_152 : i32
      %add3A_154 = arith.constant 2560000 : i32
      %add3A_155 = arith.addi %add3A_154, %mul3A_153 : i32
      %add3A_156 = arith.constant 5000 : i32
      %add3A_157 = arith.addi %add3A_155, %add3A_156 : i32
      %dma_start3A_158 = arith.constant 5000 : i32
      %dma_start3A_159 = tpu.memref_slice %arg6[%dma_start3A_158] : memref<20016xf32, #tpu.memory_space<vmem>> -> memref<5000xf32, #tpu.memory_space<vmem>>
      %dma_start3A_160 = tpu.memref_slice %arg4[%add3A_157] : memref<5120000xf32, #tpu.memory_space<hbm>> -> memref<5000xf32, #tpu.memory_space<hbm>>
      %dma_start3A_161 = tpu.memref_slice %arg4[%add3A_157] : memref<5120000xf32, #tpu.memory_space<hbm>> -> memref<5000xf32, #tpu.memory_space<hbm>>
      %dma_start3A_162 = arith.constant 5000 : i32
      %dma_start3A_163 = tpu.memref_slice %arg6[%dma_start3A_162] : memref<20016xf32, #tpu.memory_space<vmem>> -> memref<5000xf32, #tpu.memory_space<vmem>>
      tpu.enqueue_dma source(%dma_start3A_163 : memref<5000xf32, #tpu.memory_space<vmem>>) target(%dma_start3A_161 : memref<5000xf32, #tpu.memory_space<hbm>>) target_semaphore(%arg7 : memref<!tpu.dma_semaphore, #tpu.memory_space<semaphore_mem>>)
      %mul3A_164 = arith.constant 2500 : i32
      %mul3A_165 = arith.muli %mul3A_2, %mul3A_164 : i32
      %add3A_166 = arith.constant 3200000 : i32
      %add3A_167 = arith.addi %add3A_166, %mul3A_165 : i32
      %add3A_168 = arith.constant 5000 : i32
      %add3A_169 = arith.addi %add3A_167, %add3A_168 : i32
      %dma_start3A_170 = arith.constant 5000 : i32
      %dma_start3A_171 = tpu.memref_slice %arg6[%dma_start3A_170] : memref<20016xf32, #tpu.memory_space<vmem>> -> memref<5000xf32, #tpu.memory_space<vmem>>
      %dma_start3A_172 = tpu.memref_slice %arg4[%add3A_169] : memref<5120000xf32, #tpu.memory_space<hbm>> -> memref<5000xf32, #tpu.memory_space<hbm>>
      %dma_start3A_173 = tpu.memref_slice %arg4[%add3A_169] : memref<5120000xf32, #tpu.memory_space<hbm>> -> memref<5000xf32, #tpu.memory_space<hbm>>
      %dma_start3A_174 = arith.constant 5000 : i32
      %dma_start3A_175 = tpu.memref_slice %arg6[%dma_start3A_174] : memref<20016xf32, #tpu.memory_space<vmem>> -> memref<5000xf32, #tpu.memory_space<vmem>>
      tpu.enqueue_dma source(%dma_start3A_175 : memref<5000xf32, #tpu.memory_space<vmem>>) target(%dma_start3A_173 : memref<5000xf32, #tpu.memory_space<hbm>>) target_semaphore(%arg7 : memref<!tpu.dma_semaphore, #tpu.memory_space<semaphore_mem>>)
      %mul3A_176 = arith.constant 2500 : i32
      %mul3A_177 = arith.muli %mul3A_2, %mul3A_176 : i32
      %add3A_178 = arith.constant 3840000 : i32
      %add3A_179 = arith.addi %add3A_178, %mul3A_177 : i32
      %add3A_180 = arith.constant 5000 : i32
      %add3A_181 = arith.addi %add3A_179, %add3A_180 : i32
      %dma_start3A_182 = arith.constant 5000 : i32
      %dma_start3A_183 = tpu.memref_slice %arg6[%dma_start3A_182] : memref<20016xf32, #tpu.memory_space<vmem>> -> memref<5000xf32, #tpu.memory_space<vmem>>
      %dma_start3A_184 = tpu.memref_slice %arg4[%add3A_181] : memref<5120000xf32, #tpu.memory_space<hbm>> -> memref<5000xf32, #tpu.memory_space<hbm>>
      %dma_start3A_185 = tpu.memref_slice %arg4[%add3A_181] : memref<5120000xf32, #tpu.memory_space<hbm>> -> memref<5000xf32, #tpu.memory_space<hbm>>
      %dma_start3A_186 = arith.constant 5000 : i32
      %dma_start3A_187 = tpu.memref_slice %arg6[%dma_start3A_186] : memref<20016xf32, #tpu.memory_space<vmem>> -> memref<5000xf32, #tpu.memory_space<vmem>>
      tpu.enqueue_dma source(%dma_start3A_187 : memref<5000xf32, #tpu.memory_space<vmem>>) target(%dma_start3A_185 : memref<5000xf32, #tpu.memory_space<hbm>>) target_semaphore(%arg7 : memref<!tpu.dma_semaphore, #tpu.memory_space<semaphore_mem>>)
      %mul3A_188 = arith.constant 2500 : i32
      %mul3A_189 = arith.muli %mul3A_2, %mul3A_188 : i32
      %add3A_190 = arith.constant 4480000 : i32
      %add3A_191 = arith.addi %add3A_190, %mul3A_189 : i32
      %add3A_192 = arith.constant 5000 : i32
      %add3A_193 = arith.addi %add3A_191, %add3A_192 : i32
      %dma_start3A_194 = arith.constant 5000 : i32
      %dma_start3A_195 = tpu.memref_slice %arg6[%dma_start3A_194] : memref<20016xf32, #tpu.memory_space<vmem>> -> memref<5000xf32, #tpu.memory_space<vmem>>
      %dma_start3A_196 = tpu.memref_slice %arg4[%add3A_193] : memref<5120000xf32, #tpu.memory_space<hbm>> -> memref<5000xf32, #tpu.memory_space<hbm>>
      %dma_start3A_197 = tpu.memref_slice %arg4[%add3A_193] : memref<5120000xf32, #tpu.memory_space<hbm>> -> memref<5000xf32, #tpu.memory_space<hbm>>
      %dma_start3A_198 = arith.constant 5000 : i32
      %dma_start3A_199 = tpu.memref_slice %arg6[%dma_start3A_198] : memref<20016xf32, #tpu.memory_space<vmem>> -> memref<5000xf32, #tpu.memory_space<vmem>>
      tpu.enqueue_dma source(%dma_start3A_199 : memref<5000xf32, #tpu.memory_space<vmem>>) target(%dma_start3A_197 : memref<5000xf32, #tpu.memory_space<hbm>>) target_semaphore(%arg7 : memref<!tpu.dma_semaphore, #tpu.memory_space<semaphore_mem>>)
      %mul3A_200 = arith.constant 2500 : i32
      %mul3A_201 = arith.muli %mul3A_2, %mul3A_200 : i32
      %add3A_202 = arith.constant 0 : i32
      %add3A_203 = arith.addi %add3A_202, %mul3A_201 : i32
      %add3A_204 = arith.constant 10000 : i32
      %add3A_205 = arith.addi %add3A_203, %add3A_204 : i32
      %dma_start3A_206 = arith.constant 10000 : i32
      %dma_start3A_207 = tpu.memref_slice %arg6[%dma_start3A_206] : memref<20016xf32, #tpu.memory_space<vmem>> -> memref<5000xf32, #tpu.memory_space<vmem>>
      %dma_start3A_208 = tpu.memref_slice %arg4[%add3A_205] : memref<5120000xf32, #tpu.memory_space<hbm>> -> memref<5000xf32, #tpu.memory_space<hbm>>
      %dma_start3A_209 = tpu.memref_slice %arg4[%add3A_205] : memref<5120000xf32, #tpu.memory_space<hbm>> -> memref<5000xf32, #tpu.memory_space<hbm>>
      %dma_start3A_210 = arith.constant 10000 : i32
      %dma_start3A_211 = tpu.memref_slice %arg6[%dma_start3A_210] : memref<20016xf32, #tpu.memory_space<vmem>> -> memref<5000xf32, #tpu.memory_space<vmem>>
      tpu.enqueue_dma source(%dma_start3A_211 : memref<5000xf32, #tpu.memory_space<vmem>>) target(%dma_start3A_209 : memref<5000xf32, #tpu.memory_space<hbm>>) target_semaphore(%arg7 : memref<!tpu.dma_semaphore, #tpu.memory_space<semaphore_mem>>)
      %mul3A_212 = arith.constant 2500 : i32
      %mul3A_213 = arith.muli %mul3A_2, %mul3A_212 : i32
      %add3A_214 = arith.constant 640000 : i32
      %add3A_215 = arith.addi %add3A_214, %mul3A_213 : i32
      %add3A_216 = arith.constant 10000 : i32
      %add3A_217 = arith.addi %add3A_215, %add3A_216 : i32
      %dma_start3A_218 = arith.constant 10000 : i32
      %dma_start3A_219 = tpu.memref_slice %arg6[%dma_start3A_218] : memref<20016xf32, #tpu.memory_space<vmem>> -> memref<5000xf32, #tpu.memory_space<vmem>>
      %dma_start3A_220 = tpu.memref_slice %arg4[%add3A_217] : memref<5120000xf32, #tpu.memory_space<hbm>> -> memref<5000xf32, #tpu.memory_space<hbm>>
      %dma_start3A_221 = tpu.memref_slice %arg4[%add3A_217] : memref<5120000xf32, #tpu.memory_space<hbm>> -> memref<5000xf32, #tpu.memory_space<hbm>>
      %dma_start3A_222 = arith.constant 10000 : i32
      %dma_start3A_223 = tpu.memref_slice %arg6[%dma_start3A_222] : memref<20016xf32, #tpu.memory_space<vmem>> -> memref<5000xf32, #tpu.memory_space<vmem>>
      tpu.enqueue_dma source(%dma_start3A_223 : memref<5000xf32, #tpu.memory_space<vmem>>) target(%dma_start3A_221 : memref<5000xf32, #tpu.memory_space<hbm>>) target_semaphore(%arg7 : memref<!tpu.dma_semaphore, #tpu.memory_space<semaphore_mem>>)
      %mul3A_224 = arith.constant 2500 : i32
      %mul3A_225 = arith.muli %mul3A_2, %mul3A_224 : i32
      %add3A_226 = arith.constant 1280000 : i32
      %add3A_227 = arith.addi %add3A_226, %mul3A_225 : i32
      %add3A_228 = arith.constant 10000 : i32
      %add3A_229 = arith.addi %add3A_227, %add3A_228 : i32
      %dma_start3A_230 = arith.constant 10000 : i32
      %dma_start3A_231 = tpu.memref_slice %arg6[%dma_start3A_230] : memref<20016xf32, #tpu.memory_space<vmem>> -> memref<5000xf32, #tpu.memory_space<vmem>>
      %dma_start3A_232 = tpu.memref_slice %arg4[%add3A_229] : memref<5120000xf32, #tpu.memory_space<hbm>> -> memref<5000xf32, #tpu.memory_space<hbm>>
      %dma_start3A_233 = tpu.memref_slice %arg4[%add3A_229] : memref<5120000xf32, #tpu.memory_space<hbm>> -> memref<5000xf32, #tpu.memory_space<hbm>>
      %dma_start3A_234 = arith.constant 10000 : i32
      %dma_start3A_235 = tpu.memref_slice %arg6[%dma_start3A_234] : memref<20016xf32, #tpu.memory_space<vmem>> -> memref<5000xf32, #tpu.memory_space<vmem>>
      tpu.enqueue_dma source(%dma_start3A_235 : memref<5000xf32, #tpu.memory_space<vmem>>) target(%dma_start3A_233 : memref<5000xf32, #tpu.memory_space<hbm>>) target_semaphore(%arg7 : memref<!tpu.dma_semaphore, #tpu.memory_space<semaphore_mem>>)
      %mul3A_236 = arith.constant 2500 : i32
      %mul3A_237 = arith.muli %mul3A_2, %mul3A_236 : i32
      %add3A_238 = arith.constant 1920000 : i32
      %add3A_239 = arith.addi %add3A_238, %mul3A_237 : i32
      %add3A_240 = arith.constant 10000 : i32
      %add3A_241 = arith.addi %add3A_239, %add3A_240 : i32
      %dma_start3A_242 = arith.constant 10000 : i32
      %dma_start3A_243 = tpu.memref_slice %arg6[%dma_start3A_242] : memref<20016xf32, #tpu.memory_space<vmem>> -> memref<5000xf32, #tpu.memory_space<vmem>>
      %dma_start3A_244 = tpu.memref_slice %arg4[%add3A_241] : memref<5120000xf32, #tpu.memory_space<hbm>> -> memref<5000xf32, #tpu.memory_space<hbm>>
      %dma_start3A_245 = tpu.memref_slice %arg4[%add3A_241] : memref<5120000xf32, #tpu.memory_space<hbm>> -> memref<5000xf32, #tpu.memory_space<hbm>>
      %dma_start3A_246 = arith.constant 10000 : i32
      %dma_start3A_247 = tpu.memref_slice %arg6[%dma_start3A_246] : memref<20016xf32, #tpu.memory_space<vmem>> -> memref<5000xf32, #tpu.memory_space<vmem>>
      tpu.enqueue_dma source(%dma_start3A_247 : memref<5000xf32, #tpu.memory_space<vmem>>) target(%dma_start3A_245 : memref<5000xf32, #tpu.memory_space<hbm>>) target_semaphore(%arg7 : memref<!tpu.dma_semaphore, #tpu.memory_space<semaphore_mem>>)
      %mul3A_248 = arith.constant 2500 : i32
      %mul3A_249 = arith.muli %mul3A_2, %mul3A_248 : i32
      %add3A_250 = arith.constant 2560000 : i32
      %add3A_251 = arith.addi %add3A_250, %mul3A_249 : i32
      %add3A_252 = arith.constant 10000 : i32
      %add3A_253 = arith.addi %add3A_251, %add3A_252 : i32
      %dma_start3A_254 = arith.constant 10000 : i32
      %dma_start3A_255 = tpu.memref_slice %arg6[%dma_start3A_254] : memref<20016xf32, #tpu.memory_space<vmem>> -> memref<5000xf32, #tpu.memory_space<vmem>>
      %dma_start3A_256 = tpu.memref_slice %arg4[%add3A_253] : memref<5120000xf32, #tpu.memory_space<hbm>> -> memref<5000xf32, #tpu.memory_space<hbm>>
      %dma_start3A_257 = tpu.memref_slice %arg4[%add3A_253] : memref<5120000xf32, #tpu.memory_space<hbm>> -> memref<5000xf32, #tpu.memory_space<hbm>>
      %dma_start3A_258 = arith.constant 10000 : i32
      %dma_start3A_259 = tpu.memref_slice %arg6[%dma_start3A_258] : memref<20016xf32, #tpu.memory_space<vmem>> -> memref<5000xf32, #tpu.memory_space<vmem>>
      tpu.enqueue_dma source(%dma_start3A_259 : memref<5000xf32, #tpu.memory_space<vmem>>) target(%dma_start3A_257 : memref<5000xf32, #tpu.memory_space<hbm>>) target_semaphore(%arg7 : memref<!tpu.dma_semaphore, #tpu.memory_space<semaphore_mem>>)
      %mul3A_260 = arith.constant 2500 : i32
      %mul3A_261 = arith.muli %mul3A_2, %mul3A_260 : i32
      %add3A_262 = arith.constant 3200000 : i32
      %add3A_263 = arith.addi %add3A_262, %mul3A_261 : i32
      %add3A_264 = arith.constant 10000 : i32
      %add3A_265 = arith.addi %add3A_263, %add3A_264 : i32
      %dma_start3A_266 = arith.constant 10000 : i32
      %dma_start3A_267 = tpu.memref_slice %arg6[%dma_start3A_266] : memref<20016xf32, #tpu.memory_space<vmem>> -> memref<5000xf32, #tpu.memory_space<vmem>>
      %dma_start3A_268 = tpu.memref_slice %arg4[%add3A_265] : memref<5120000xf32, #tpu.memory_space<hbm>> -> memref<5000xf32, #tpu.memory_space<hbm>>
      %dma_start3A_269 = tpu.memref_slice %arg4[%add3A_265] : memref<5120000xf32, #tpu.memory_space<hbm>> -> memref<5000xf32, #tpu.memory_space<hbm>>
      %dma_start3A_270 = arith.constant 10000 : i32
      %dma_start3A_271 = tpu.memref_slice %arg6[%dma_start3A_270] : memref<20016xf32, #tpu.memory_space<vmem>> -> memref<5000xf32, #tpu.memory_space<vmem>>
      tpu.enqueue_dma source(%dma_start3A_271 : memref<5000xf32, #tpu.memory_space<vmem>>) target(%dma_start3A_269 : memref<5000xf32, #tpu.memory_space<hbm>>) target_semaphore(%arg7 : memref<!tpu.dma_semaphore, #tpu.memory_space<semaphore_mem>>)
      %mul3A_272 = arith.constant 2500 : i32
      %mul3A_273 = arith.muli %mul3A_2, %mul3A_272 : i32
      %add3A_274 = arith.constant 3840000 : i32
      %add3A_275 = arith.addi %add3A_274, %mul3A_273 : i32
      %add3A_276 = arith.constant 10000 : i32
      %add3A_277 = arith.addi %add3A_275, %add3A_276 : i32
      %dma_start3A_278 = arith.constant 10000 : i32
      %dma_start3A_279 = tpu.memref_slice %arg6[%dma_start3A_278] : memref<20016xf32, #tpu.memory_space<vmem>> -> memref<5000xf32, #tpu.memory_space<vmem>>
      %dma_start3A_280 = tpu.memref_slice %arg4[%add3A_277] : memref<5120000xf32, #tpu.memory_space<hbm>> -> memref<5000xf32, #tpu.memory_space<hbm>>
      %dma_start3A_281 = tpu.memref_slice %arg4[%add3A_277] : memref<5120000xf32, #tpu.memory_space<hbm>> -> memref<5000xf32, #tpu.memory_space<hbm>>
      %dma_start3A_282 = arith.constant 10000 : i32
      %dma_start3A_283 = tpu.memref_slice %arg6[%dma_start3A_282] : memref<20016xf32, #tpu.memory_space<vmem>> -> memref<5000xf32, #tpu.memory_space<vmem>>
      tpu.enqueue_dma source(%dma_start3A_283 : memref<5000xf32, #tpu.memory_space<vmem>>) target(%dma_start3A_281 : memref<5000xf32, #tpu.memory_space<hbm>>) target_semaphore(%arg7 : memref<!tpu.dma_semaphore, #tpu.memory_space<semaphore_mem>>)
      %mul3A_284 = arith.constant 2500 : i32
      %mul3A_285 = arith.muli %mul3A_2, %mul3A_284 : i32
      %add3A_286 = arith.constant 4480000 : i32
      %add3A_287 = arith.addi %add3A_286, %mul3A_285 : i32
      %add3A_288 = arith.constant 10000 : i32
      %add3A_289 = arith.addi %add3A_287, %add3A_288 : i32
      %dma_start3A_290 = arith.constant 10000 : i32
      %dma_start3A_291 = tpu.memref_slice %arg6[%dma_start3A_290] : memref<20016xf32, #tpu.memory_space<vmem>> -> memref<5000xf32, #tpu.memory_space<vmem>>
      %dma_start3A_292 = tpu.memref_slice %arg4[%add3A_289] : memref<5120000xf32, #tpu.memory_space<hbm>> -> memref<5000xf32, #tpu.memory_space<hbm>>
      %dma_start3A_293 = tpu.memref_slice %arg4[%add3A_289] : memref<5120000xf32, #tpu.memory_space<hbm>> -> memref<5000xf32, #tpu.memory_space<hbm>>
      %dma_start3A_294 = arith.constant 10000 : i32
      %dma_start3A_295 = tpu.memref_slice %arg6[%dma_start3A_294] : memref<20016xf32, #tpu.memory_space<vmem>> -> memref<5000xf32, #tpu.memory_space<vmem>>
      tpu.enqueue_dma source(%dma_start3A_295 : memref<5000xf32, #tpu.memory_space<vmem>>) target(%dma_start3A_293 : memref<5000xf32, #tpu.memory_space<hbm>>) target_semaphore(%arg7 : memref<!tpu.dma_semaphore, #tpu.memory_space<semaphore_mem>>)
      %mul3A_296 = arith.constant 2500 : i32
      %mul3A_297 = arith.muli %mul3A_2, %mul3A_296 : i32
      %add3A_298 = arith.constant 0 : i32
      %add3A_299 = arith.addi %add3A_298, %mul3A_297 : i32
      %add3A_300 = arith.constant 15000 : i32
      %add3A_301 = arith.addi %add3A_299, %add3A_300 : i32
      %dma_start3A_302 = arith.constant 15000 : i32
      %dma_start3A_303 = tpu.memref_slice %arg6[%dma_start3A_302] : memref<20016xf32, #tpu.memory_space<vmem>> -> memref<5000xf32, #tpu.memory_space<vmem>>
      %dma_start3A_304 = tpu.memref_slice %arg4[%add3A_301] : memref<5120000xf32, #tpu.memory_space<hbm>> -> memref<5000xf32, #tpu.memory_space<hbm>>
      %dma_start3A_305 = tpu.memref_slice %arg4[%add3A_301] : memref<5120000xf32, #tpu.memory_space<hbm>> -> memref<5000xf32, #tpu.memory_space<hbm>>
      %dma_start3A_306 = arith.constant 15000 : i32
      %dma_start3A_307 = tpu.memref_slice %arg6[%dma_start3A_306] : memref<20016xf32, #tpu.memory_space<vmem>> -> memref<5000xf32, #tpu.memory_space<vmem>>
      tpu.enqueue_dma source(%dma_start3A_307 : memref<5000xf32, #tpu.memory_space<vmem>>) target(%dma_start3A_305 : memref<5000xf32, #tpu.memory_space<hbm>>) target_semaphore(%arg7 : memref<!tpu.dma_semaphore, #tpu.memory_space<semaphore_mem>>)
      %mul3A_308 = arith.constant 2500 : i32
      %mul3A_309 = arith.muli %mul3A_2, %mul3A_308 : i32
      %add3A_310 = arith.constant 640000 : i32
      %add3A_311 = arith.addi %add3A_310, %mul3A_309 : i32
      %add3A_312 = arith.constant 15000 : i32
      %add3A_313 = arith.addi %add3A_311, %add3A_312 : i32
      %dma_start3A_314 = arith.constant 15000 : i32
      %dma_start3A_315 = tpu.memref_slice %arg6[%dma_start3A_314] : memref<20016xf32, #tpu.memory_space<vmem>> -> memref<5000xf32, #tpu.memory_space<vmem>>
      %dma_start3A_316 = tpu.memref_slice %arg4[%add3A_313] : memref<5120000xf32, #tpu.memory_space<hbm>> -> memref<5000xf32, #tpu.memory_space<hbm>>
      %dma_start3A_317 = tpu.memref_slice %arg4[%add3A_313] : memref<5120000xf32, #tpu.memory_space<hbm>> -> memref<5000xf32, #tpu.memory_space<hbm>>
      %dma_start3A_318 = arith.constant 15000 : i32
      %dma_start3A_319 = tpu.memref_slice %arg6[%dma_start3A_318] : memref<20016xf32, #tpu.memory_space<vmem>> -> memref<5000xf32, #tpu.memory_space<vmem>>
      tpu.enqueue_dma source(%dma_start3A_319 : memref<5000xf32, #tpu.memory_space<vmem>>) target(%dma_start3A_317 : memref<5000xf32, #tpu.memory_space<hbm>>) target_semaphore(%arg7 : memref<!tpu.dma_semaphore, #tpu.memory_space<semaphore_mem>>)
      %mul3A_320 = arith.constant 2500 : i32
      %mul3A_321 = arith.muli %mul3A_2, %mul3A_320 : i32
      %add3A_322 = arith.constant 1280000 : i32
      %add3A_323 = arith.addi %add3A_322, %mul3A_321 : i32
      %add3A_324 = arith.constant 15000 : i32
      %add3A_325 = arith.addi %add3A_323, %add3A_324 : i32
      %dma_start3A_326 = arith.constant 15000 : i32
      %dma_start3A_327 = tpu.memref_slice %arg6[%dma_start3A_326] : memref<20016xf32, #tpu.memory_space<vmem>> -> memref<5000xf32, #tpu.memory_space<vmem>>
      %dma_start3A_328 = tpu.memref_slice %arg4[%add3A_325] : memref<5120000xf32, #tpu.memory_space<hbm>> -> memref<5000xf32, #tpu.memory_space<hbm>>
      %dma_start3A_329 = tpu.memref_slice %arg4[%add3A_325] : memref<5120000xf32, #tpu.memory_space<hbm>> -> memref<5000xf32, #tpu.memory_space<hbm>>
      %dma_start3A_330 = arith.constant 15000 : i32
      %dma_start3A_331 = tpu.memref_slice %arg6[%dma_start3A_330] : memref<20016xf32, #tpu.memory_space<vmem>> -> memref<5000xf32, #tpu.memory_space<vmem>>
      tpu.enqueue_dma source(%dma_start3A_331 : memref<5000xf32, #tpu.memory_space<vmem>>) target(%dma_start3A_329 : memref<5000xf32, #tpu.memory_space<hbm>>) target_semaphore(%arg7 : memref<!tpu.dma_semaphore, #tpu.memory_space<semaphore_mem>>)
      %mul3A_332 = arith.constant 2500 : i32
      %mul3A_333 = arith.muli %mul3A_2, %mul3A_332 : i32
      %add3A_334 = arith.constant 1920000 : i32
      %add3A_335 = arith.addi %add3A_334, %mul3A_333 : i32
      %add3A_336 = arith.constant 15000 : i32
      %add3A_337 = arith.addi %add3A_335, %add3A_336 : i32
      %dma_start3A_338 = arith.constant 15000 : i32
      %dma_start3A_339 = tpu.memref_slice %arg6[%dma_start3A_338] : memref<20016xf32, #tpu.memory_space<vmem>> -> memref<5000xf32, #tpu.memory_space<vmem>>
      %dma_start3A_340 = tpu.memref_slice %arg4[%add3A_337] : memref<5120000xf32, #tpu.memory_space<hbm>> -> memref<5000xf32, #tpu.memory_space<hbm>>
      %dma_start3A_341 = tpu.memref_slice %arg4[%add3A_337] : memref<5120000xf32, #tpu.memory_space<hbm>> -> memref<5000xf32, #tpu.memory_space<hbm>>
      %dma_start3A_342 = arith.constant 15000 : i32
      %dma_start3A_343 = tpu.memref_slice %arg6[%dma_start3A_342] : memref<20016xf32, #tpu.memory_space<vmem>> -> memref<5000xf32, #tpu.memory_space<vmem>>
      tpu.enqueue_dma source(%dma_start3A_343 : memref<5000xf32, #tpu.memory_space<vmem>>) target(%dma_start3A_341 : memref<5000xf32, #tpu.memory_space<hbm>>) target_semaphore(%arg7 : memref<!tpu.dma_semaphore, #tpu.memory_space<semaphore_mem>>)
      %mul3A_344 = arith.constant 2500 : i32
      %mul3A_345 = arith.muli %mul3A_2, %mul3A_344 : i32
      %add3A_346 = arith.constant 2560000 : i32
      %add3A_347 = arith.addi %add3A_346, %mul3A_345 : i32
      %add3A_348 = arith.constant 15000 : i32
      %add3A_349 = arith.addi %add3A_347, %add3A_348 : i32
      %dma_start3A_350 = arith.constant 15000 : i32
      %dma_start3A_351 = tpu.memref_slice %arg6[%dma_start3A_350] : memref<20016xf32, #tpu.memory_space<vmem>> -> memref<5000xf32, #tpu.memory_space<vmem>>
      %dma_start3A_352 = tpu.memref_slice %arg4[%add3A_349] : memref<5120000xf32, #tpu.memory_space<hbm>> -> memref<5000xf32, #tpu.memory_space<hbm>>
      %dma_start3A_353 = tpu.memref_slice %arg4[%add3A_349] : memref<5120000xf32, #tpu.memory_space<hbm>> -> memref<5000xf32, #tpu.memory_space<hbm>>
      %dma_start3A_354 = arith.constant 15000 : i32
      %dma_start3A_355 = tpu.memref_slice %arg6[%dma_start3A_354] : memref<20016xf32, #tpu.memory_space<vmem>> -> memref<5000xf32, #tpu.memory_space<vmem>>
      tpu.enqueue_dma source(%dma_start3A_355 : memref<5000xf32, #tpu.memory_space<vmem>>) target(%dma_start3A_353 : memref<5000xf32, #tpu.memory_space<hbm>>) target_semaphore(%arg7 : memref<!tpu.dma_semaphore, #tpu.memory_space<semaphore_mem>>)
      %mul3A_356 = arith.constant 2500 : i32
      %mul3A_357 = arith.muli %mul3A_2, %mul3A_356 : i32
      %add3A_358 = arith.constant 3200000 : i32
      %add3A_359 = arith.addi %add3A_358, %mul3A_357 : i32
      %add3A_360 = arith.constant 15000 : i32
      %add3A_361 = arith.addi %add3A_359, %add3A_360 : i32
      %dma_start3A_362 = arith.constant 15000 : i32
      %dma_start3A_363 = tpu.memref_slice %arg6[%dma_start3A_362] : memref<20016xf32, #tpu.memory_space<vmem>> -> memref<5000xf32, #tpu.memory_space<vmem>>
      %dma_start3A_364 = tpu.memref_slice %arg4[%add3A_361] : memref<5120000xf32, #tpu.memory_space<hbm>> -> memref<5000xf32, #tpu.memory_space<hbm>>
      %dma_start3A_365 = tpu.memref_slice %arg4[%add3A_361] : memref<5120000xf32, #tpu.memory_space<hbm>> -> memref<5000xf32, #tpu.memory_space<hbm>>
      %dma_start3A_366 = arith.constant 15000 : i32
      %dma_start3A_367 = tpu.memref_slice %arg6[%dma_start3A_366] : memref<20016xf32, #tpu.memory_space<vmem>> -> memref<5000xf32, #tpu.memory_space<vmem>>
      tpu.enqueue_dma source(%dma_start3A_367 : memref<5000xf32, #tpu.memory_space<vmem>>) target(%dma_start3A_365 : memref<5000xf32, #tpu.memory_space<hbm>>) target_semaphore(%arg7 : memref<!tpu.dma_semaphore, #tpu.memory_space<semaphore_mem>>)
      %mul3A_368 = arith.constant 2500 : i32
      %mul3A_369 = arith.muli %mul3A_2, %mul3A_368 : i32
      %add3A_370 = arith.constant 3840000 : i32
      %add3A_371 = arith.addi %add3A_370, %mul3A_369 : i32
      %add3A_372 = arith.constant 15000 : i32
      %add3A_373 = arith.addi %add3A_371, %add3A_372 : i32
      %dma_start3A_374 = arith.constant 15000 : i32
      %dma_start3A_375 = tpu.memref_slice %arg6[%dma_start3A_374] : memref<20016xf32, #tpu.memory_space<vmem>> -> memref<5000xf32, #tpu.memory_space<vmem>>
      %dma_start3A_376 = tpu.memref_slice %arg4[%add3A_373] : memref<5120000xf32, #tpu.memory_space<hbm>> -> memref<5000xf32, #tpu.memory_space<hbm>>
      %dma_start3A_377 = tpu.memref_slice %arg4[%add3A_373] : memref<5120000xf32, #tpu.memory_space<hbm>> -> memref<5000xf32, #tpu.memory_space<hbm>>
      %dma_start3A_378 = arith.constant 15000 : i32
      %dma_start3A_379 = tpu.memref_slice %arg6[%dma_start3A_378] : memref<20016xf32, #tpu.memory_space<vmem>> -> memref<5000xf32, #tpu.memory_space<vmem>>
      tpu.enqueue_dma source(%dma_start3A_379 : memref<5000xf32, #tpu.memory_space<vmem>>) target(%dma_start3A_377 : memref<5000xf32, #tpu.memory_space<hbm>>) target_semaphore(%arg7 : memref<!tpu.dma_semaphore, #tpu.memory_space<semaphore_mem>>)
      %mul3A_380 = arith.constant 2500 : i32
      %mul3A_381 = arith.muli %mul3A_2, %mul3A_380 : i32
      %add3A_382 = arith.constant 4480000 : i32
      %add3A_383 = arith.addi %add3A_382, %mul3A_381 : i32
      %add3A_384 = arith.constant 15000 : i32
      %add3A_385 = arith.addi %add3A_383, %add3A_384 : i32
      %dma_start3A_386 = arith.constant 15000 : i32
      %dma_start3A_387 = tpu.memref_slice %arg6[%dma_start3A_386] : memref<20016xf32, #tpu.memory_space<vmem>> -> memref<5000xf32, #tpu.memory_space<vmem>>
      %dma_start3A_388 = tpu.memref_slice %arg4[%add3A_385] : memref<5120000xf32, #tpu.memory_space<hbm>> -> memref<5000xf32, #tpu.memory_space<hbm>>
      %dma_start3A_389 = tpu.memref_slice %arg4[%add3A_385] : memref<5120000xf32, #tpu.memory_space<hbm>> -> memref<5000xf32, #tpu.memory_space<hbm>>
      %dma_start3A_390 = arith.constant 15000 : i32
      %dma_start3A_391 = tpu.memref_slice %arg6[%dma_start3A_390] : memref<20016xf32, #tpu.memory_space<vmem>> -> memref<5000xf32, #tpu.memory_space<vmem>>
      tpu.enqueue_dma source(%dma_start3A_391 : memref<5000xf32, #tpu.memory_space<vmem>>) target(%dma_start3A_389 : memref<5000xf32, #tpu.memory_space<hbm>>) target_semaphore(%arg7 : memref<!tpu.dma_semaphore, #tpu.memory_space<semaphore_mem>>)
      %dma_wait3A = arith.constant 0 : i32
      %dma_wait3A_392 = tpu.memref_slice %arg6[%dma_wait3A] : memref<20016xf32, #tpu.memory_space<vmem>> -> memref<5000xf32, #tpu.memory_space<vmem>>
      %dma_wait3A_393 = tpu.memref_slice %arg4[%add3A_14] : memref<5120000xf32, #tpu.memory_space<hbm>> -> memref<5000xf32, #tpu.memory_space<hbm>>
      %dma_wait3A_394 = tpu.memref_slice %arg4[%add3A_14] : memref<5120000xf32, #tpu.memory_space<hbm>> -> memref<5000xf32, #tpu.memory_space<hbm>>
      %dma_wait3A_395 = arith.constant 0 : i32
      %dma_wait3A_396 = tpu.memref_slice %arg6[%dma_wait3A_395] : memref<20016xf32, #tpu.memory_space<vmem>> -> memref<5000xf32, #tpu.memory_space<vmem>>
      tpu.wait_dma2 semaphore(%arg7 : memref<!tpu.dma_semaphore, #tpu.memory_space<semaphore_mem>>) src(%dma_wait3A_396 : memref<5000xf32, #tpu.memory_space<vmem>>) dst(%dma_wait3A_394 : memref<5000xf32, #tpu.memory_space<hbm>>)
      %dma_wait3A_397 = arith.constant 0 : i32
      %dma_wait3A_398 = tpu.memref_slice %arg6[%dma_wait3A_397] : memref<20016xf32, #tpu.memory_space<vmem>> -> memref<5000xf32, #tpu.memory_space<vmem>>
      %dma_wait3A_399 = tpu.memref_slice %arg4[%add3A_25] : memref<5120000xf32, #tpu.memory_space<hbm>> -> memref<5000xf32, #tpu.memory_space<hbm>>
      %dma_wait3A_400 = tpu.memref_slice %arg4[%add3A_25] : memref<5120000xf32, #tpu.memory_space<hbm>> -> memref<5000xf32, #tpu.memory_space<hbm>>
      %dma_wait3A_401 = arith.constant 0 : i32
      %dma_wait3A_402 = tpu.memref_slice %arg6[%dma_wait3A_401] : memref<20016xf32, #tpu.memory_space<vmem>> -> memref<5000xf32, #tpu.memory_space<vmem>>
      tpu.wait_dma2 semaphore(%arg7 : memref<!tpu.dma_semaphore, #tpu.memory_space<semaphore_mem>>) src(%dma_wait3A_402 : memref<5000xf32, #tpu.memory_space<vmem>>) dst(%dma_wait3A_400 : memref<5000xf32, #tpu.memory_space<hbm>>)
      %dma_wait3A_403 = arith.constant 0 : i32
      %dma_wait3A_404 = tpu.memref_slice %arg6[%dma_wait3A_403] : memref<20016xf32, #tpu.memory_space<vmem>> -> memref<5000xf32, #tpu.memory_space<vmem>>
      %dma_wait3A_405 = tpu.memref_slice %arg4[%add3A_37] : memref<5120000xf32, #tpu.memory_space<hbm>> -> memref<5000xf32, #tpu.memory_space<hbm>>
      %dma_wait3A_406 = tpu.memref_slice %arg4[%add3A_37] : memref<5120000xf32, #tpu.memory_space<hbm>> -> memref<5000xf32, #tpu.memory_space<hbm>>
      %dma_wait3A_407 = arith.constant 0 : i32
      %dma_wait3A_408 = tpu.memref_slice %arg6[%dma_wait3A_407] : memref<20016xf32, #tpu.memory_space<vmem>> -> memref<5000xf32, #tpu.memory_space<vmem>>
      tpu.wait_dma2 semaphore(%arg7 : memref<!tpu.dma_semaphore, #tpu.memory_space<semaphore_mem>>) src(%dma_wait3A_408 : memref<5000xf32, #tpu.memory_space<vmem>>) dst(%dma_wait3A_406 : memref<5000xf32, #tpu.memory_space<hbm>>)
      %dma_wait3A_409 = arith.constant 0 : i32
      %dma_wait3A_410 = tpu.memref_slice %arg6[%dma_wait3A_409] : memref<20016xf32, #tpu.memory_space<vmem>> -> memref<5000xf32, #tpu.memory_space<vmem>>
      %dma_wait3A_411 = tpu.memref_slice %arg4[%add3A_49] : memref<5120000xf32, #tpu.memory_space<hbm>> -> memref<5000xf32, #tpu.memory_space<hbm>>
      %dma_wait3A_412 = tpu.memref_slice %arg4[%add3A_49] : memref<5120000xf32, #tpu.memory_space<hbm>> -> memref<5000xf32, #tpu.memory_space<hbm>>
      %dma_wait3A_413 = arith.constant 0 : i32
      %dma_wait3A_414 = tpu.memref_slice %arg6[%dma_wait3A_413] : memref<20016xf32, #tpu.memory_space<vmem>> -> memref<5000xf32, #tpu.memory_space<vmem>>
      tpu.wait_dma2 semaphore(%arg7 : memref<!tpu.dma_semaphore, #tpu.memory_space<semaphore_mem>>) src(%dma_wait3A_414 : memref<5000xf32, #tpu.memory_space<vmem>>) dst(%dma_wait3A_412 : memref<5000xf32, #tpu.memory_space<hbm>>)
      %dma_wait3A_415 = arith.constant 0 : i32
      %dma_wait3A_416 = tpu.memref_slice %arg6[%dma_wait3A_415] : memref<20016xf32, #tpu.memory_space<vmem>> -> memref<5000xf32, #tpu.memory_space<vmem>>
      %dma_wait3A_417 = tpu.memref_slice %arg4[%add3A_61] : memref<5120000xf32, #tpu.memory_space<hbm>> -> memref<5000xf32, #tpu.memory_space<hbm>>
      %dma_wait3A_418 = tpu.memref_slice %arg4[%add3A_61] : memref<5120000xf32, #tpu.memory_space<hbm>> -> memref<5000xf32, #tpu.memory_space<hbm>>
      %dma_wait3A_419 = arith.constant 0 : i32
      %dma_wait3A_420 = tpu.memref_slice %arg6[%dma_wait3A_419] : memref<20016xf32, #tpu.memory_space<vmem>> -> memref<5000xf32, #tpu.memory_space<vmem>>
      tpu.wait_dma2 semaphore(%arg7 : memref<!tpu.dma_semaphore, #tpu.memory_space<semaphore_mem>>) src(%dma_wait3A_420 : memref<5000xf32, #tpu.memory_space<vmem>>) dst(%dma_wait3A_418 : memref<5000xf32, #tpu.memory_space<hbm>>)
      %dma_wait3A_421 = arith.constant 0 : i32
      %dma_wait3A_422 = tpu.memref_slice %arg6[%dma_wait3A_421] : memref<20016xf32, #tpu.memory_space<vmem>> -> memref<5000xf32, #tpu.memory_space<vmem>>
      %dma_wait3A_423 = tpu.memref_slice %arg4[%add3A_73] : memref<5120000xf32, #tpu.memory_space<hbm>> -> memref<5000xf32, #tpu.memory_space<hbm>>
      %dma_wait3A_424 = tpu.memref_slice %arg4[%add3A_73] : memref<5120000xf32, #tpu.memory_space<hbm>> -> memref<5000xf32, #tpu.memory_space<hbm>>
      %dma_wait3A_425 = arith.constant 0 : i32
      %dma_wait3A_426 = tpu.memref_slice %arg6[%dma_wait3A_425] : memref<20016xf32, #tpu.memory_space<vmem>> -> memref<5000xf32, #tpu.memory_space<vmem>>
      tpu.wait_dma2 semaphore(%arg7 : memref<!tpu.dma_semaphore, #tpu.memory_space<semaphore_mem>>) src(%dma_wait3A_426 : memref<5000xf32, #tpu.memory_space<vmem>>) dst(%dma_wait3A_424 : memref<5000xf32, #tpu.memory_space<hbm>>)
      %dma_wait3A_427 = arith.constant 0 : i32
      %dma_wait3A_428 = tpu.memref_slice %arg6[%dma_wait3A_427] : memref<20016xf32, #tpu.memory_space<vmem>> -> memref<5000xf32, #tpu.memory_space<vmem>>
      %dma_wait3A_429 = tpu.memref_slice %arg4[%add3A_85] : memref<5120000xf32, #tpu.memory_space<hbm>> -> memref<5000xf32, #tpu.memory_space<hbm>>
      %dma_wait3A_430 = tpu.memref_slice %arg4[%add3A_85] : memref<5120000xf32, #tpu.memory_space<hbm>> -> memref<5000xf32, #tpu.memory_space<hbm>>
      %dma_wait3A_431 = arith.constant 0 : i32
      %dma_wait3A_432 = tpu.memref_slice %arg6[%dma_wait3A_431] : memref<20016xf32, #tpu.memory_space<vmem>> -> memref<5000xf32, #tpu.memory_space<vmem>>
      tpu.wait_dma2 semaphore(%arg7 : memref<!tpu.dma_semaphore, #tpu.memory_space<semaphore_mem>>) src(%dma_wait3A_432 : memref<5000xf32, #tpu.memory_space<vmem>>) dst(%dma_wait3A_430 : memref<5000xf32, #tpu.memory_space<hbm>>)
      %dma_wait3A_433 = arith.constant 0 : i32
      %dma_wait3A_434 = tpu.memref_slice %arg6[%dma_wait3A_433] : memref<20016xf32, #tpu.memory_space<vmem>> -> memref<5000xf32, #tpu.memory_space<vmem>>
      %dma_wait3A_435 = tpu.memref_slice %arg4[%add3A_97] : memref<5120000xf32, #tpu.memory_space<hbm>> -> memref<5000xf32, #tpu.memory_space<hbm>>
      %dma_wait3A_436 = tpu.memref_slice %arg4[%add3A_97] : memref<5120000xf32, #tpu.memory_space<hbm>> -> memref<5000xf32, #tpu.memory_space<hbm>>
      %dma_wait3A_437 = arith.constant 0 : i32
      %dma_wait3A_438 = tpu.memref_slice %arg6[%dma_wait3A_437] : memref<20016xf32, #tpu.memory_space<vmem>> -> memref<5000xf32, #tpu.memory_space<vmem>>
      tpu.wait_dma2 semaphore(%arg7 : memref<!tpu.dma_semaphore, #tpu.memory_space<semaphore_mem>>) src(%dma_wait3A_438 : memref<5000xf32, #tpu.memory_space<vmem>>) dst(%dma_wait3A_436 : memref<5000xf32, #tpu.memory_space<hbm>>)
      %dma_wait3A_439 = arith.constant 5000 : i32
      %dma_wait3A_440 = tpu.memref_slice %arg6[%dma_wait3A_439] : memref<20016xf32, #tpu.memory_space<vmem>> -> memref<5000xf32, #tpu.memory_space<vmem>>
      %dma_wait3A_441 = tpu.memref_slice %arg4[%add3A_109] : memref<5120000xf32, #tpu.memory_space<hbm>> -> memref<5000xf32, #tpu.memory_space<hbm>>
      %dma_wait3A_442 = tpu.memref_slice %arg4[%add3A_109] : memref<5120000xf32, #tpu.memory_space<hbm>> -> memref<5000xf32, #tpu.memory_space<hbm>>
      %dma_wait3A_443 = arith.constant 5000 : i32
      %dma_wait3A_444 = tpu.memref_slice %arg6[%dma_wait3A_443] : memref<20016xf32, #tpu.memory_space<vmem>> -> memref<5000xf32, #tpu.memory_space<vmem>>
      tpu.wait_dma2 semaphore(%arg7 : memref<!tpu.dma_semaphore, #tpu.memory_space<semaphore_mem>>) src(%dma_wait3A_444 : memref<5000xf32, #tpu.memory_space<vmem>>) dst(%dma_wait3A_442 : memref<5000xf32, #tpu.memory_space<hbm>>)
      %dma_wait3A_445 = arith.constant 5000 : i32
      %dma_wait3A_446 = tpu.memref_slice %arg6[%dma_wait3A_445] : memref<20016xf32, #tpu.memory_space<vmem>> -> memref<5000xf32, #tpu.memory_space<vmem>>
      %dma_wait3A_447 = tpu.memref_slice %arg4[%add3A_121] : memref<5120000xf32, #tpu.memory_space<hbm>> -> memref<5000xf32, #tpu.memory_space<hbm>>
      %dma_wait3A_448 = tpu.memref_slice %arg4[%add3A_121] : memref<5120000xf32, #tpu.memory_space<hbm>> -> memref<5000xf32, #tpu.memory_space<hbm>>
      %dma_wait3A_449 = arith.constant 5000 : i32
      %dma_wait3A_450 = tpu.memref_slice %arg6[%dma_wait3A_449] : memref<20016xf32, #tpu.memory_space<vmem>> -> memref<5000xf32, #tpu.memory_space<vmem>>
      tpu.wait_dma2 semaphore(%arg7 : memref<!tpu.dma_semaphore, #tpu.memory_space<semaphore_mem>>) src(%dma_wait3A_450 : memref<5000xf32, #tpu.memory_space<vmem>>) dst(%dma_wait3A_448 : memref<5000xf32, #tpu.memory_space<hbm>>)
      %dma_wait3A_451 = arith.constant 5000 : i32
      %dma_wait3A_452 = tpu.memref_slice %arg6[%dma_wait3A_451] : memref<20016xf32, #tpu.memory_space<vmem>> -> memref<5000xf32, #tpu.memory_space<vmem>>
      %dma_wait3A_453 = tpu.memref_slice %arg4[%add3A_133] : memref<5120000xf32, #tpu.memory_space<hbm>> -> memref<5000xf32, #tpu.memory_space<hbm>>
      %dma_wait3A_454 = tpu.memref_slice %arg4[%add3A_133] : memref<5120000xf32, #tpu.memory_space<hbm>> -> memref<5000xf32, #tpu.memory_space<hbm>>
      %dma_wait3A_455 = arith.constant 5000 : i32
      %dma_wait3A_456 = tpu.memref_slice %arg6[%dma_wait3A_455] : memref<20016xf32, #tpu.memory_space<vmem>> -> memref<5000xf32, #tpu.memory_space<vmem>>
      tpu.wait_dma2 semaphore(%arg7 : memref<!tpu.dma_semaphore, #tpu.memory_space<semaphore_mem>>) src(%dma_wait3A_456 : memref<5000xf32, #tpu.memory_space<vmem>>) dst(%dma_wait3A_454 : memref<5000xf32, #tpu.memory_space<hbm>>)
      %dma_wait3A_457 = arith.constant 5000 : i32
      %dma_wait3A_458 = tpu.memref_slice %arg6[%dma_wait3A_457] : memref<20016xf32, #tpu.memory_space<vmem>> -> memref<5000xf32, #tpu.memory_space<vmem>>
      %dma_wait3A_459 = tpu.memref_slice %arg4[%add3A_145] : memref<5120000xf32, #tpu.memory_space<hbm>> -> memref<5000xf32, #tpu.memory_space<hbm>>
      %dma_wait3A_460 = tpu.memref_slice %arg4[%add3A_145] : memref<5120000xf32, #tpu.memory_space<hbm>> -> memref<5000xf32, #tpu.memory_space<hbm>>
      %dma_wait3A_461 = arith.constant 5000 : i32
      %dma_wait3A_462 = tpu.memref_slice %arg6[%dma_wait3A_461] : memref<20016xf32, #tpu.memory_space<vmem>> -> memref<5000xf32, #tpu.memory_space<vmem>>
      tpu.wait_dma2 semaphore(%arg7 : memref<!tpu.dma_semaphore, #tpu.memory_space<semaphore_mem>>) src(%dma_wait3A_462 : memref<5000xf32, #tpu.memory_space<vmem>>) dst(%dma_wait3A_460 : memref<5000xf32, #tpu.memory_space<hbm>>)
      %dma_wait3A_463 = arith.constant 5000 : i32
      %dma_wait3A_464 = tpu.memref_slice %arg6[%dma_wait3A_463] : memref<20016xf32, #tpu.memory_space<vmem>> -> memref<5000xf32, #tpu.memory_space<vmem>>
      %dma_wait3A_465 = tpu.memref_slice %arg4[%add3A_157] : memref<5120000xf32, #tpu.memory_space<hbm>> -> memref<5000xf32, #tpu.memory_space<hbm>>
      %dma_wait3A_466 = tpu.memref_slice %arg4[%add3A_157] : memref<5120000xf32, #tpu.memory_space<hbm>> -> memref<5000xf32, #tpu.memory_space<hbm>>
      %dma_wait3A_467 = arith.constant 5000 : i32
      %dma_wait3A_468 = tpu.memref_slice %arg6[%dma_wait3A_467] : memref<20016xf32, #tpu.memory_space<vmem>> -> memref<5000xf32, #tpu.memory_space<vmem>>
      tpu.wait_dma2 semaphore(%arg7 : memref<!tpu.dma_semaphore, #tpu.memory_space<semaphore_mem>>) src(%dma_wait3A_468 : memref<5000xf32, #tpu.memory_space<vmem>>) dst(%dma_wait3A_466 : memref<5000xf32, #tpu.memory_space<hbm>>)
      %dma_wait3A_469 = arith.constant 5000 : i32
      %dma_wait3A_470 = tpu.memref_slice %arg6[%dma_wait3A_469] : memref<20016xf32, #tpu.memory_space<vmem>> -> memref<5000xf32, #tpu.memory_space<vmem>>
      %dma_wait3A_471 = tpu.memref_slice %arg4[%add3A_169] : memref<5120000xf32, #tpu.memory_space<hbm>> -> memref<5000xf32, #tpu.memory_space<hbm>>
      %dma_wait3A_472 = tpu.memref_slice %arg4[%add3A_169] : memref<5120000xf32, #tpu.memory_space<hbm>> -> memref<5000xf32, #tpu.memory_space<hbm>>
      %dma_wait3A_473 = arith.constant 5000 : i32
      %dma_wait3A_474 = tpu.memref_slice %arg6[%dma_wait3A_473] : memref<20016xf32, #tpu.memory_space<vmem>> -> memref<5000xf32, #tpu.memory_space<vmem>>
      tpu.wait_dma2 semaphore(%arg7 : memref<!tpu.dma_semaphore, #tpu.memory_space<semaphore_mem>>) src(%dma_wait3A_474 : memref<5000xf32, #tpu.memory_space<vmem>>) dst(%dma_wait3A_472 : memref<5000xf32, #tpu.memory_space<hbm>>)
      %dma_wait3A_475 = arith.constant 5000 : i32
      %dma_wait3A_476 = tpu.memref_slice %arg6[%dma_wait3A_475] : memref<20016xf32, #tpu.memory_space<vmem>> -> memref<5000xf32, #tpu.memory_space<vmem>>
      %dma_wait3A_477 = tpu.memref_slice %arg4[%add3A_181] : memref<5120000xf32, #tpu.memory_space<hbm>> -> memref<5000xf32, #tpu.memory_space<hbm>>
      %dma_wait3A_478 = tpu.memref_slice %arg4[%add3A_181] : memref<5120000xf32, #tpu.memory_space<hbm>> -> memref<5000xf32, #tpu.memory_space<hbm>>
      %dma_wait3A_479 = arith.constant 5000 : i32
      %dma_wait3A_480 = tpu.memref_slice %arg6[%dma_wait3A_479] : memref<20016xf32, #tpu.memory_space<vmem>> -> memref<5000xf32, #tpu.memory_space<vmem>>
      tpu.wait_dma2 semaphore(%arg7 : memref<!tpu.dma_semaphore, #tpu.memory_space<semaphore_mem>>) src(%dma_wait3A_480 : memref<5000xf32, #tpu.memory_space<vmem>>) dst(%dma_wait3A_478 : memref<5000xf32, #tpu.memory_space<hbm>>)
      %dma_wait3A_481 = arith.constant 5000 : i32
      %dma_wait3A_482 = tpu.memref_slice %arg6[%dma_wait3A_481] : memref<20016xf32, #tpu.memory_space<vmem>> -> memref<5000xf32, #tpu.memory_space<vmem>>
      %dma_wait3A_483 = tpu.memref_slice %arg4[%add3A_193] : memref<5120000xf32, #tpu.memory_space<hbm>> -> memref<5000xf32, #tpu.memory_space<hbm>>
      %dma_wait3A_484 = tpu.memref_slice %arg4[%add3A_193] : memref<5120000xf32, #tpu.memory_space<hbm>> -> memref<5000xf32, #tpu.memory_space<hbm>>
      %dma_wait3A_485 = arith.constant 5000 : i32
      %dma_wait3A_486 = tpu.memref_slice %arg6[%dma_wait3A_485] : memref<20016xf32, #tpu.memory_space<vmem>> -> memref<5000xf32, #tpu.memory_space<vmem>>
      tpu.wait_dma2 semaphore(%arg7 : memref<!tpu.dma_semaphore, #tpu.memory_space<semaphore_mem>>) src(%dma_wait3A_486 : memref<5000xf32, #tpu.memory_space<vmem>>) dst(%dma_wait3A_484 : memref<5000xf32, #tpu.memory_space<hbm>>)
      %dma_wait3A_487 = arith.constant 10000 : i32
      %dma_wait3A_488 = tpu.memref_slice %arg6[%dma_wait3A_487] : memref<20016xf32, #tpu.memory_space<vmem>> -> memref<5000xf32, #tpu.memory_space<vmem>>
      %dma_wait3A_489 = tpu.memref_slice %arg4[%add3A_205] : memref<5120000xf32, #tpu.memory_space<hbm>> -> memref<5000xf32, #tpu.memory_space<hbm>>
      %dma_wait3A_490 = tpu.memref_slice %arg4[%add3A_205] : memref<5120000xf32, #tpu.memory_space<hbm>> -> memref<5000xf32, #tpu.memory_space<hbm>>
      %dma_wait3A_491 = arith.constant 10000 : i32
      %dma_wait3A_492 = tpu.memref_slice %arg6[%dma_wait3A_491] : memref<20016xf32, #tpu.memory_space<vmem>> -> memref<5000xf32, #tpu.memory_space<vmem>>
      tpu.wait_dma2 semaphore(%arg7 : memref<!tpu.dma_semaphore, #tpu.memory_space<semaphore_mem>>) src(%dma_wait3A_492 : memref<5000xf32, #tpu.memory_space<vmem>>) dst(%dma_wait3A_490 : memref<5000xf32, #tpu.memory_space<hbm>>)
      %dma_wait3A_493 = arith.constant 10000 : i32
      %dma_wait3A_494 = tpu.memref_slice %arg6[%dma_wait3A_493] : memref<20016xf32, #tpu.memory_space<vmem>> -> memref<5000xf32, #tpu.memory_space<vmem>>
      %dma_wait3A_495 = tpu.memref_slice %arg4[%add3A_217] : memref<5120000xf32, #tpu.memory_space<hbm>> -> memref<5000xf32, #tpu.memory_space<hbm>>
      %dma_wait3A_496 = tpu.memref_slice %arg4[%add3A_217] : memref<5120000xf32, #tpu.memory_space<hbm>> -> memref<5000xf32, #tpu.memory_space<hbm>>
      %dma_wait3A_497 = arith.constant 10000 : i32
      %dma_wait3A_498 = tpu.memref_slice %arg6[%dma_wait3A_497] : memref<20016xf32, #tpu.memory_space<vmem>> -> memref<5000xf32, #tpu.memory_space<vmem>>
      tpu.wait_dma2 semaphore(%arg7 : memref<!tpu.dma_semaphore, #tpu.memory_space<semaphore_mem>>) src(%dma_wait3A_498 : memref<5000xf32, #tpu.memory_space<vmem>>) dst(%dma_wait3A_496 : memref<5000xf32, #tpu.memory_space<hbm>>)
      %dma_wait3A_499 = arith.constant 10000 : i32
      %dma_wait3A_500 = tpu.memref_slice %arg6[%dma_wait3A_499] : memref<20016xf32, #tpu.memory_space<vmem>> -> memref<5000xf32, #tpu.memory_space<vmem>>
      %dma_wait3A_501 = tpu.memref_slice %arg4[%add3A_229] : memref<5120000xf32, #tpu.memory_space<hbm>> -> memref<5000xf32, #tpu.memory_space<hbm>>
      %dma_wait3A_502 = tpu.memref_slice %arg4[%add3A_229] : memref<5120000xf32, #tpu.memory_space<hbm>> -> memref<5000xf32, #tpu.memory_space<hbm>>
      %dma_wait3A_503 = arith.constant 10000 : i32
      %dma_wait3A_504 = tpu.memref_slice %arg6[%dma_wait3A_503] : memref<20016xf32, #tpu.memory_space<vmem>> -> memref<5000xf32, #tpu.memory_space<vmem>>
      tpu.wait_dma2 semaphore(%arg7 : memref<!tpu.dma_semaphore, #tpu.memory_space<semaphore_mem>>) src(%dma_wait3A_504 : memref<5000xf32, #tpu.memory_space<vmem>>) dst(%dma_wait3A_502 : memref<5000xf32, #tpu.memory_space<hbm>>)
      %dma_wait3A_505 = arith.constant 10000 : i32
      %dma_wait3A_506 = tpu.memref_slice %arg6[%dma_wait3A_505] : memref<20016xf32, #tpu.memory_space<vmem>> -> memref<5000xf32, #tpu.memory_space<vmem>>
      %dma_wait3A_507 = tpu.memref_slice %arg4[%add3A_241] : memref<5120000xf32, #tpu.memory_space<hbm>> -> memref<5000xf32, #tpu.memory_space<hbm>>
      %dma_wait3A_508 = tpu.memref_slice %arg4[%add3A_241] : memref<5120000xf32, #tpu.memory_space<hbm>> -> memref<5000xf32, #tpu.memory_space<hbm>>
      %dma_wait3A_509 = arith.constant 10000 : i32
      %dma_wait3A_510 = tpu.memref_slice %arg6[%dma_wait3A_509] : memref<20016xf32, #tpu.memory_space<vmem>> -> memref<5000xf32, #tpu.memory_space<vmem>>
      tpu.wait_dma2 semaphore(%arg7 : memref<!tpu.dma_semaphore, #tpu.memory_space<semaphore_mem>>) src(%dma_wait3A_510 : memref<5000xf32, #tpu.memory_space<vmem>>) dst(%dma_wait3A_508 : memref<5000xf32, #tpu.memory_space<hbm>>)
      %dma_wait3A_511 = arith.constant 10000 : i32
      %dma_wait3A_512 = tpu.memref_slice %arg6[%dma_wait3A_511] : memref<20016xf32, #tpu.memory_space<vmem>> -> memref<5000xf32, #tpu.memory_space<vmem>>
      %dma_wait3A_513 = tpu.memref_slice %arg4[%add3A_253] : memref<5120000xf32, #tpu.memory_space<hbm>> -> memref<5000xf32, #tpu.memory_space<hbm>>
      %dma_wait3A_514 = tpu.memref_slice %arg4[%add3A_253] : memref<5120000xf32, #tpu.memory_space<hbm>> -> memref<5000xf32, #tpu.memory_space<hbm>>
      %dma_wait3A_515 = arith.constant 10000 : i32
      %dma_wait3A_516 = tpu.memref_slice %arg6[%dma_wait3A_515] : memref<20016xf32, #tpu.memory_space<vmem>> -> memref<5000xf32, #tpu.memory_space<vmem>>
      tpu.wait_dma2 semaphore(%arg7 : memref<!tpu.dma_semaphore, #tpu.memory_space<semaphore_mem>>) src(%dma_wait3A_516 : memref<5000xf32, #tpu.memory_space<vmem>>) dst(%dma_wait3A_514 : memref<5000xf32, #tpu.memory_space<hbm>>)
      %dma_wait3A_517 = arith.constant 10000 : i32
      %dma_wait3A_518 = tpu.memref_slice %arg6[%dma_wait3A_517] : memref<20016xf32, #tpu.memory_space<vmem>> -> memref<5000xf32, #tpu.memory_space<vmem>>
      %dma_wait3A_519 = tpu.memref_slice %arg4[%add3A_265] : memref<5120000xf32, #tpu.memory_space<hbm>> -> memref<5000xf32, #tpu.memory_space<hbm>>
      %dma_wait3A_520 = tpu.memref_slice %arg4[%add3A_265] : memref<5120000xf32, #tpu.memory_space<hbm>> -> memref<5000xf32, #tpu.memory_space<hbm>>
      %dma_wait3A_521 = arith.constant 10000 : i32
      %dma_wait3A_522 = tpu.memref_slice %arg6[%dma_wait3A_521] : memref<20016xf32, #tpu.memory_space<vmem>> -> memref<5000xf32, #tpu.memory_space<vmem>>
      tpu.wait_dma2 semaphore(%arg7 : memref<!tpu.dma_semaphore, #tpu.memory_space<semaphore_mem>>) src(%dma_wait3A_522 : memref<5000xf32, #tpu.memory_space<vmem>>) dst(%dma_wait3A_520 : memref<5000xf32, #tpu.memory_space<hbm>>)
      %dma_wait3A_523 = arith.constant 10000 : i32
      %dma_wait3A_524 = tpu.memref_slice %arg6[%dma_wait3A_523] : memref<20016xf32, #tpu.memory_space<vmem>> -> memref<5000xf32, #tpu.memory_space<vmem>>
      %dma_wait3A_525 = tpu.memref_slice %arg4[%add3A_277] : memref<5120000xf32, #tpu.memory_space<hbm>> -> memref<5000xf32, #tpu.memory_space<hbm>>
      %dma_wait3A_526 = tpu.memref_slice %arg4[%add3A_277] : memref<5120000xf32, #tpu.memory_space<hbm>> -> memref<5000xf32, #tpu.memory_space<hbm>>
      %dma_wait3A_527 = arith.constant 10000 : i32
      %dma_wait3A_528 = tpu.memref_slice %arg6[%dma_wait3A_527] : memref<20016xf32, #tpu.memory_space<vmem>> -> memref<5000xf32, #tpu.memory_space<vmem>>
      tpu.wait_dma2 semaphore(%arg7 : memref<!tpu.dma_semaphore, #tpu.memory_space<semaphore_mem>>) src(%dma_wait3A_528 : memref<5000xf32, #tpu.memory_space<vmem>>) dst(%dma_wait3A_526 : memref<5000xf32, #tpu.memory_space<hbm>>)
      %dma_wait3A_529 = arith.constant 10000 : i32
      %dma_wait3A_530 = tpu.memref_slice %arg6[%dma_wait3A_529] : memref<20016xf32, #tpu.memory_space<vmem>> -> memref<5000xf32, #tpu.memory_space<vmem>>
      %dma_wait3A_531 = tpu.memref_slice %arg4[%add3A_289] : memref<5120000xf32, #tpu.memory_space<hbm>> -> memref<5000xf32, #tpu.memory_space<hbm>>
      %dma_wait3A_532 = tpu.memref_slice %arg4[%add3A_289] : memref<5120000xf32, #tpu.memory_space<hbm>> -> memref<5000xf32, #tpu.memory_space<hbm>>
      %dma_wait3A_533 = arith.constant 10000 : i32
      %dma_wait3A_534 = tpu.memref_slice %arg6[%dma_wait3A_533] : memref<20016xf32, #tpu.memory_space<vmem>> -> memref<5000xf32, #tpu.memory_space<vmem>>
      tpu.wait_dma2 semaphore(%arg7 : memref<!tpu.dma_semaphore, #tpu.memory_space<semaphore_mem>>) src(%dma_wait3A_534 : memref<5000xf32, #tpu.memory_space<vmem>>) dst(%dma_wait3A_532 : memref<5000xf32, #tpu.memory_space<hbm>>)
      %dma_wait3A_535 = arith.constant 15000 : i32
      %dma_wait3A_536 = tpu.memref_slice %arg6[%dma_wait3A_535] : memref<20016xf32, #tpu.memory_space<vmem>> -> memref<5000xf32, #tpu.memory_space<vmem>>
      %dma_wait3A_537 = tpu.memref_slice %arg4[%add3A_301] : memref<5120000xf32, #tpu.memory_space<hbm>> -> memref<5000xf32, #tpu.memory_space<hbm>>
      %dma_wait3A_538 = tpu.memref_slice %arg4[%add3A_301] : memref<5120000xf32, #tpu.memory_space<hbm>> -> memref<5000xf32, #tpu.memory_space<hbm>>
      %dma_wait3A_539 = arith.constant 15000 : i32
      %dma_wait3A_540 = tpu.memref_slice %arg6[%dma_wait3A_539] : memref<20016xf32, #tpu.memory_space<vmem>> -> memref<5000xf32, #tpu.memory_space<vmem>>
      tpu.wait_dma2 semaphore(%arg7 : memref<!tpu.dma_semaphore, #tpu.memory_space<semaphore_mem>>) src(%dma_wait3A_540 : memref<5000xf32, #tpu.memory_space<vmem>>) dst(%dma_wait3A_538 : memref<5000xf32, #tpu.memory_space<hbm>>)
      %dma_wait3A_541 = arith.constant 15000 : i32
      %dma_wait3A_542 = tpu.memref_slice %arg6[%dma_wait3A_541] : memref<20016xf32, #tpu.memory_space<vmem>> -> memref<5000xf32, #tpu.memory_space<vmem>>
      %dma_wait3A_543 = tpu.memref_slice %arg4[%add3A_313] : memref<5120000xf32, #tpu.memory_space<hbm>> -> memref<5000xf32, #tpu.memory_space<hbm>>
      %dma_wait3A_544 = tpu.memref_slice %arg4[%add3A_313] : memref<5120000xf32, #tpu.memory_space<hbm>> -> memref<5000xf32, #tpu.memory_space<hbm>>
      %dma_wait3A_545 = arith.constant 15000 : i32
      %dma_wait3A_546 = tpu.memref_slice %arg6[%dma_wait3A_545] : memref<20016xf32, #tpu.memory_space<vmem>> -> memref<5000xf32, #tpu.memory_space<vmem>>
      tpu.wait_dma2 semaphore(%arg7 : memref<!tpu.dma_semaphore, #tpu.memory_space<semaphore_mem>>) src(%dma_wait3A_546 : memref<5000xf32, #tpu.memory_space<vmem>>) dst(%dma_wait3A_544 : memref<5000xf32, #tpu.memory_space<hbm>>)
      %dma_wait3A_547 = arith.constant 15000 : i32
      %dma_wait3A_548 = tpu.memref_slice %arg6[%dma_wait3A_547] : memref<20016xf32, #tpu.memory_space<vmem>> -> memref<5000xf32, #tpu.memory_space<vmem>>
      %dma_wait3A_549 = tpu.memref_slice %arg4[%add3A_325] : memref<5120000xf32, #tpu.memory_space<hbm>> -> memref<5000xf32, #tpu.memory_space<hbm>>
      %dma_wait3A_550 = tpu.memref_slice %arg4[%add3A_325] : memref<5120000xf32, #tpu.memory_space<hbm>> -> memref<5000xf32, #tpu.memory_space<hbm>>
      %dma_wait3A_551 = arith.constant 15000 : i32
      %dma_wait3A_552 = tpu.memref_slice %arg6[%dma_wait3A_551] : memref<20016xf32, #tpu.memory_space<vmem>> -> memref<5000xf32, #tpu.memory_space<vmem>>
      tpu.wait_dma2 semaphore(%arg7 : memref<!tpu.dma_semaphore, #tpu.memory_space<semaphore_mem>>) src(%dma_wait3A_552 : memref<5000xf32, #tpu.memory_space<vmem>>) dst(%dma_wait3A_550 : memref<5000xf32, #tpu.memory_space<hbm>>)
      %dma_wait3A_553 = arith.constant 15000 : i32
      %dma_wait3A_554 = tpu.memref_slice %arg6[%dma_wait3A_553] : memref<20016xf32, #tpu.memory_space<vmem>> -> memref<5000xf32, #tpu.memory_space<vmem>>
      %dma_wait3A_555 = tpu.memref_slice %arg4[%add3A_337] : memref<5120000xf32, #tpu.memory_space<hbm>> -> memref<5000xf32, #tpu.memory_space<hbm>>
      %dma_wait3A_556 = tpu.memref_slice %arg4[%add3A_337] : memref<5120000xf32, #tpu.memory_space<hbm>> -> memref<5000xf32, #tpu.memory_space<hbm>>
      %dma_wait3A_557 = arith.constant 15000 : i32
      %dma_wait3A_558 = tpu.memref_slice %arg6[%dma_wait3A_557] : memref<20016xf32, #tpu.memory_space<vmem>> -> memref<5000xf32, #tpu.memory_space<vmem>>
      tpu.wait_dma2 semaphore(%arg7 : memref<!tpu.dma_semaphore, #tpu.memory_space<semaphore_mem>>) src(%dma_wait3A_558 : memref<5000xf32, #tpu.memory_space<vmem>>) dst(%dma_wait3A_556 : memref<5000xf32, #tpu.memory_space<hbm>>)
      %dma_wait3A_559 = arith.constant 15000 : i32
      %dma_wait3A_560 = tpu.memref_slice %arg6[%dma_wait3A_559] : memref<20016xf32, #tpu.memory_space<vmem>> -> memref<5000xf32, #tpu.memory_space<vmem>>
      %dma_wait3A_561 = tpu.memref_slice %arg4[%add3A_349] : memref<5120000xf32, #tpu.memory_space<hbm>> -> memref<5000xf32, #tpu.memory_space<hbm>>
      %dma_wait3A_562 = tpu.memref_slice %arg4[%add3A_349] : memref<5120000xf32, #tpu.memory_space<hbm>> -> memref<5000xf32, #tpu.memory_space<hbm>>
      %dma_wait3A_563 = arith.constant 15000 : i32
      %dma_wait3A_564 = tpu.memref_slice %arg6[%dma_wait3A_563] : memref<20016xf32, #tpu.memory_space<vmem>> -> memref<5000xf32, #tpu.memory_space<vmem>>
      tpu.wait_dma2 semaphore(%arg7 : memref<!tpu.dma_semaphore, #tpu.memory_space<semaphore_mem>>) src(%dma_wait3A_564 : memref<5000xf32, #tpu.memory_space<vmem>>) dst(%dma_wait3A_562 : memref<5000xf32, #tpu.memory_space<hbm>>)
      %dma_wait3A_565 = arith.constant 15000 : i32
      %dma_wait3A_566 = tpu.memref_slice %arg6[%dma_wait3A_565] : memref<20016xf32, #tpu.memory_space<vmem>> -> memref<5000xf32, #tpu.memory_space<vmem>>
      %dma_wait3A_567 = tpu.memref_slice %arg4[%add3A_361] : memref<5120000xf32, #tpu.memory_space<hbm>> -> memref<5000xf32, #tpu.memory_space<hbm>>
      %dma_wait3A_568 = tpu.memref_slice %arg4[%add3A_361] : memref<5120000xf32, #tpu.memory_space<hbm>> -> memref<5000xf32, #tpu.memory_space<hbm>>
      %dma_wait3A_569 = arith.constant 15000 : i32
      %dma_wait3A_570 = tpu.memref_slice %arg6[%dma_wait3A_569] : memref<20016xf32, #tpu.memory_space<vmem>> -> memref<5000xf32, #tpu.memory_space<vmem>>
      tpu.wait_dma2 semaphore(%arg7 : memref<!tpu.dma_semaphore, #tpu.memory_space<semaphore_mem>>) src(%dma_wait3A_570 : memref<5000xf32, #tpu.memory_space<vmem>>) dst(%dma_wait3A_568 : memref<5000xf32, #tpu.memory_space<hbm>>)
      %dma_wait3A_571 = arith.constant 15000 : i32
      %dma_wait3A_572 = tpu.memref_slice %arg6[%dma_wait3A_571] : memref<20016xf32, #tpu.memory_space<vmem>> -> memref<5000xf32, #tpu.memory_space<vmem>>
      %dma_wait3A_573 = tpu.memref_slice %arg4[%add3A_373] : memref<5120000xf32, #tpu.memory_space<hbm>> -> memref<5000xf32, #tpu.memory_space<hbm>>
      %dma_wait3A_574 = tpu.memref_slice %arg4[%add3A_373] : memref<5120000xf32, #tpu.memory_space<hbm>> -> memref<5000xf32, #tpu.memory_space<hbm>>
      %dma_wait3A_575 = arith.constant 15000 : i32
      %dma_wait3A_576 = tpu.memref_slice %arg6[%dma_wait3A_575] : memref<20016xf32, #tpu.memory_space<vmem>> -> memref<5000xf32, #tpu.memory_space<vmem>>
      tpu.wait_dma2 semaphore(%arg7 : memref<!tpu.dma_semaphore, #tpu.memory_space<semaphore_mem>>) src(%dma_wait3A_576 : memref<5000xf32, #tpu.memory_space<vmem>>) dst(%dma_wait3A_574 : memref<5000xf32, #tpu.memory_space<hbm>>)
      %dma_wait3A_577 = arith.constant 15000 : i32
      %dma_wait3A_578 = tpu.memref_slice %arg6[%dma_wait3A_577] : memref<20016xf32, #tpu.memory_space<vmem>> -> memref<5000xf32, #tpu.memory_space<vmem>>
      %dma_wait3A_579 = tpu.memref_slice %arg4[%add3A_385] : memref<5120000xf32, #tpu.memory_space<hbm>> -> memref<5000xf32, #tpu.memory_space<hbm>>
      %dma_wait3A_580 = tpu.memref_slice %arg4[%add3A_385] : memref<5120000xf32, #tpu.memory_space<hbm>> -> memref<5000xf32, #tpu.memory_space<hbm>>
      %dma_wait3A_581 = arith.constant 15000 : i32
      %dma_wait3A_582 = tpu.memref_slice %arg6[%dma_wait3A_581] : memref<20016xf32, #tpu.memory_space<vmem>> -> memref<5000xf32, #tpu.memory_space<vmem>>
      tpu.wait_dma2 semaphore(%arg7 : memref<!tpu.dma_semaphore, #tpu.memory_space<semaphore_mem>>) src(%dma_wait3A_582 : memref<5000xf32, #tpu.memory_space<vmem>>) dst(%dma_wait3A_580 : memref<5000xf32, #tpu.memory_space<hbm>>)
    } else {
    }
    return
  }
}

</mosaic_0001>

<sc_bundles>
// kernel: kernel.3.cloned.1.call-start
scs
__scs_entry_jumppad:
0x0: {  	(pc) =	sbr.rel $0x88, $3  }
0x1: {  	(tag) =	ssettag $0x0;
	lr =	simm.s32 $0x1  }
0x2: {  	[smem:$0x3F9F] =	sst lr;
	_ =	strace $0xD0000000  }
0x3: {  	_ = 	snop  }
0x4: {  	_ = 	snop  }
0x5: {  	_ = 	snop  }
0x6: {  	_ = 	snop  }
0x7: {  	_ = 	snop  }
__scs_overlays_trampoline_lowered:
0x8: {  	[smem:$0x3FAE] =	sst s0  }
0x9: {  	[smem:$0x3FAF] =	sst s1  }
0xa: {  	[smem:$0x3FB0] =	sst s2  }
0xb: {  	[smem:$0x3FB1] =	sst s3  }
0xc: {  	[smem:$0x3FB2] =	sst s4  }
0xd: {  	[smem:$0x3FB3] =	sst s5  }
0xe: {  	[smem:$0x3FB4] =	sst s6  }
0xf: {  	[smem:$0x3FB5] =	sst s7  }
0x10: {  	[smem:$0x3FB6] =	sst s8  }
0x11: {  	[smem:$0x3FB7] =	sst s9;
	s0 =	simm.s32 @!p0 $0x0  }
0x12: {  	s1 =	sld [smem:$0x3F9D];
	s0 =	simm.s32 @p0 $0x1  }
0x13: {  	[smem:$0x3FB8] =	sst s0;
	s0 =	simm.s32 @!p1 $0x0  }
0x14: {  	s2 =	sld [smem:$0x3F9C];
	s0 =	simm.s32 @p1 $0x1  }
0x15: {  	[smem:$0x3FB9] =	sst s0;
	s0 =	simm.s32 @!p2 $0x0  }
0x16: {  	s3 =	sld [smem:$0x3FDB];
	s0 =	simm.s32 @p2 $0x1  }
0x17: {  	s4 =	simm.s32 $0x1BF5;
	[smem:$0x3FBB] =	sst s0  }
0x18: {  	s0 =	sld [smem:$0x3F9E];
	_ =	swait.ge [sflag:s4], $0x0  }
0x19: {  	s7 =	sld [smem:$0x3F9F]  }
0x1a: {  	s8 =	sadd.s32 $0xFFFFE003, lr  }
0x1b: {  	s9 =	sadd.s32 $0xFFFFFEF7, lr;
	s5 =	simm.s32 $0xFFFFFFFF;
	p2 =	slt.u32 s8, $0xFFFFF086  }
0x1c: {  	p1 =	slt.u32 s9, $0xF7A;
	s5 =	simm.s32 @!p2 $0x0  }
0x1d: {  	s5 =	simm.s32 @p1 $0x1;
	p0 =	seq.s32 s7, s2  }
0x1e: {  	s7 =	smul.u32 @!p0 $0xF7A, s2;
	p2 =	seq.s32 @!p0 s5, $0x0  }
0x1f: {  	s9 =	smul.u32 $0xF7A, s1;
	s8 =	simm.s32 @!p0 $0x1BF5;
	p2 =	por !p2, p0  }
0x20: {  	[sflag:s8] =	ssyncset.s32 @!p0 $0xFFFFF086;
	s6 =	sadd.s32 @!p0 s3, s7;
	s7 =	simm.s32 @!p0 $0x108  }
0x21: {  	s3 =	sadd.s32 s3, s9;
	s6 =	sadd.s32 @!p0 $0x88, s6;
	s7 =	simm.s32 @p2 $0x1082  }
0x22: {  	[simem:s7], [sflag:s8] =	dma.local @!p0 [hbm:s6], $0xF7A  }
0x23: {  	s9 =	sor.u32 $0xD0000000, s2;
	s6 =	simm.s32 $0x108;
	_ =	swait.ge @!p0 [sflag:s8], $0x0  }
0x24: {  	s3 =	sadd.s32 $0x88, s3;
	s6 =	simm.s32 @!p1 $0x1082;
	[sflag:s4] =	ssyncset.s32 $0xFFFFF086  }
0x25: {  	[simem:s6], [sflag:s4] =	dma.local [hbm:s3], $0xF7A  }
0x26: {  	[smem:$0x3F9F] =	sst s1;
	(tag) =	ssettag s2;
	_ =	strace s9  }
0x27: {  	s1 =	sld [smem:$0x3FAF]  }
0x28: {  	s2 =	sld [smem:$0x3FB0]  }
0x29: {  	s4 =	sld [smem:$0x3FB2]  }
0x2a: {  	p0 =	seq.s32 s5, $0x0;
	s5 =	sld [smem:$0x3FB3]  }
0x2b: {  	s6 =	sld [smem:$0x3FB4]  }
0x2c: {  	s7 =	sld [smem:$0x3FB5]  }
0x2d: {  	s3 =	simm.s32 $0x108;
	s8 =	sld [smem:$0x3FB6]  }
0x2e: {  	s3 =	simm.s32 @!p0 $0x1082;
	s9 =	sld [smem:$0x3FB7]  }
0x2f: {  	lr =	sadd.s32 s0, s3;
	s0 =	sld [smem:$0x3FAE]  }
0x30: {  	s3 =	sld [smem:$0x3FB1]  }
0x31: {  	[smem:$0x3FBA] =	sst s10  }
0x32: {  	s10 =	sld [smem:$0x3FB8];
	_ =	sdelay $0x3  }
0x33: {  	p0 =	seq.s32 s10, $0x1;
	s10 =	sld [smem:$0x3FBA];
	_ =	sdelay $0x3  }
0x34: {  	[smem:$0x3FBA] =	sst s10  }
0x35: {  	s10 =	sld [smem:$0x3FB9];
	_ =	sdelay $0x3  }
0x36: {  	p1 =	seq.s32 s10, $0x1;
	s10 =	sld [smem:$0x3FBA];
	_ =	sdelay $0x3  }
0x37: {  	[smem:$0x3FBA] =	sst s10  }
0x38: {  	s10 =	sld [smem:$0x3FBB]  }
0x39: {  	_ = 	snop;
	(pc) =	sbr.ind lr, $3  }
0x3a: {  	_ = 	snop  }
0x3b: {  	_ = 	snop  }
0x3c: {  	p2 =	seq.s32 s10, $0x1;
	s10 =	sld [smem:$0x3FBA]  }
0x3d: {  	_ =	shalt  }
0x3e: {  	_ =	shalt  }
0x3f: {  	_ =	shalt  }
0x40: {  	_ =	shalt  }
0x41: {  	_ =	shalt  }
0x42: {  	_ =	shalt  }
0x43: {  	_ =	shalt  }
0x44: {  	_ =	shalt  }
0x45: {  	_ =	shalt  }
0x46: {  	_ =	shalt  }
0x47: {  	_ =	shalt  }
0x48: {  	_ =	shalt  }
0x49: {  	_ =	shalt  }
0x4a: {  	_ =	shalt  }
0x4b: {  	_ =	shalt  }
0x4c: {  	_ =	shalt  }
0x4d: {  	_ =	shalt  }
0x4e: {  	_ =	shalt  }
0x4f: {  	_ =	shalt  }
0x50: {  	_ =	shalt  }
0x51: {  	_ =	shalt  }
0x52: {  	_ =	shalt  }
0x53: {  	_ =	shalt  }
0x54: {  	_ =	shalt  }
0x55: {  	_ =	shalt  }
0x56: {  	_ =	shalt  }
0x57: {  	_ =	shalt  }
0x58: {  	_ =	shalt  }
0x59: {  	_ =	shalt  }
0x5a: {  	_ =	shalt  }
0x5b: {  	_ =	shalt  }
0x5c: {  	_ =	shalt  }
0x5d: {  	_ =	shalt  }
0x5e: {  	_ =	shalt  }
0x5f: {  	_ =	shalt  }
0x60: {  	_ =	shalt  }
0x61: {  	_ =	shalt  }
0x62: {  	_ =	shalt  }
0x63: {  	_ =	shalt  }
0x64: {  	_ =	shalt  }
0x65: {  	_ =	shalt  }
0x66: {  	_ =	shalt  }
0x67: {  	_ =	shalt  }
0x68: {  	_ =	shalt  }
0x69: {  	_ =	shalt  }
0x6a: {  	_ =	shalt  }
0x6b: {  	_ =	shalt  }
0x6c: {  	_ =	shalt  }
0x6d: {  	_ =	shalt  }
0x6e: {  	_ =	shalt  }
0x6f: {  	_ =	shalt  }
0x70: {  	_ =	shalt  }
0x71: {  	_ =	shalt  }
0x72: {  	_ =	shalt  }
0x73: {  	_ =	shalt  }
0x74: {  	_ =	shalt  }
0x75: {  	_ =	shalt  }
0x76: {  	_ =	shalt  }
0x77: {  	_ =	shalt  }
0x78: {  	_ =	shalt  }
0x79: {  	_ =	shalt  }
0x7a: {  	_ =	shalt  }
0x7b: {  	_ =	shalt  }
0x7c: {  	_ =	shalt  }
0x7d: {  	_ =	shalt  }
0x7e: {  	_ =	shalt  }
0x7f: {  	_ =	shalt  }
0x80: {  	_ =	shalt  }
0x81: {  	_ =	shalt  }
0x82: {  	_ =	shalt  }
0x83: {  	_ =	shalt  }
0x84: {  	_ =	shalt  }
0x85: {  	_ =	shalt  }
0x86: {  	_ =	shalt  }
0x87: {  	_ =	shalt  }
.Lfunc_end0:
.L_simem_size_0:
called_computation_lowered:
.L_overlay_start_0:
0x88: {  	s2 =	sld [smem:$0x3FD9]  }
0x89: {  	s3 =	sld [smem:$0x3FFE];
	_ =	sdelay $0x1  }
0x8a: {  	s1 =	srdreg.scid  }
0x8b: {  	s0 =	sand.u32 $0x1, s1  }
0x8c: {  	s18 =	sshll.u32 s0, $0xA;
	s2 =	sadd.s32 s3, s2  }
0x8d: {  	s2 =	sadd.s32 s2, s18  }
0x8e: {  	[smem:$0x3FC6] =	sst s2  }
0x8f: {  	_ = 	snop  }
0x90: {  	s2 =	sld [smem:$0x3FC9]  }
0x91: {  	s19 =	sld [smem:$0x3FC8]  }
0x92: {  	s4 =	sld [smem:$0x3FD0];
	(tm) =	ssettm $0x1  }
0x93: {  	s5 =	sld [smem:$0x3FFB];
	_ =	sdelay $0x3  }
0x94: {  	_ =	strace s5  }
0x95: {  	s5 =	sld [smem:$0x3FFC];
	_ =	sdelay $0x3  }
0x96: {  	_ =	strace s5  }
0x97: {  	s5 =	sld [smem:$0x3FFD];
	_ =	sdelay $0x3  }
0x98: {  	_ =	strace s5  }
0x99: {  	_ =	strace $0x8FFFFFFF  }
0x9a: {  	s20 =	sld [smem:$0x3FDB];
	_ =	sdelay $0x1  }
0x9b: {  	s6 =	simm.s32 $_scs_section_size  }
0x9c: {  	s7 =	simm.s32 $_size__tile_overlayer_lowered;
	s8 =	simm.s32 $_tile_overlayer_lowered  }
0x9d: {  	s23 =	simm.s32 $0x1BFF;
	s22 =	sshll.u32 s8, $0x1;
	s5 =	sadd.s32 s6, s20  }
0x9e: {  	s9 =	simm.s32 $0x0;
	s21 =	sshll.u32 s7, $0x1;
	s7 =	sadd.s32 s22, s5  }
0x9f: {  	[timem:s9], [sflag:s23] =	dma.local [hbm:s7], s21  }
0xa0: {  	_ =	swait.ge [sflag:s23], s21  }
0xa1: {  	s6 =	ssub.s32 $0x0, s21;
	[sflag:s23] =	ssyncset.done $0x0  }
0xa2: {  	[sflag:s23] =	ssyncadd.s32 s6;
	_ =	sdelay $0x1  }
0xa3: {  	s24 =	simm.s32 $0x1B8B  }
0xa4: {  	_ =	swait.ge [sflag:s24], $0x1  }
0xa5: {  	[sflag:s24] =	ssyncset.done $0x0  }
0xa6: {  	s25 =	simm.s32 $0x1B8E;
	[sflag:s24] =	ssyncadd.s32 $0xFFFFFFFF  }
0xa7: {  	s26 =	simm.s32 $execute0_lowered;
	[smem:$0x3FD2] =	sst s25  }
0xa8: {  	s6 =	sshll.u32 s26, $0x1;
	_ =	strace $0x80000046;
	[dreg:$0x1] =	wrdreg $0xFFFFFFFF  }
0xa9: {  	s28 =	simm.s32 $_size_execute0_lowered;
	s5 =	sadd.s32 s5, s6;
	[dreg:$0x0] =	wrdreg $0x0  }
0xaa: {  	s6 =	sshll.u32 s28, $0x1;
	[dreg:$0x2] =	wrdreg s5  }
0xab: {  	[dreg:$0x3] =	wrdreg s6  }
0xac: {  	[dreg:$0x4] =	wrdreg $0xC0  }
0xad: {  	_ =	task [dreg:s9], $0x5FFFF  }
0xae: {  	[dreg:$0x1] =	wrdreg $0xFFFFFFFF  }
0xaf: {  	[dreg:$0x0] =	wrdreg $0x60  }
0xb0: {  	[dreg:$0x2] =	wrdreg s19  }
0xb1: {  	[dreg:$0x3] =	wrdreg s2  }
0xb2: {  	[dreg:$0x4] =	wrdreg s4  }
0xb3: {  	[dreg:$0x5] =	wrdreg $0x9  }
0xb4: {  	_ =	task.clear_ibuf [dreg:s9], $0x6FFFF;
	_ =	strace $0x90000046  }
0xb5: {  	s29 =	simm.s32 $0x9;
	_ =	strace $0x80000048  }
0xb6: {  	_ =	swait.ge [sflag:s29], $0x1  }
0xb7: {  	[sflag:s29] =	ssyncadd.s32 $0xFFFFFFFF  }
0xb8: {  	_ =	strace $0x90000048  }
0xb9: {  	_ =	sfence  }
0xba: {  	s30 =	sld [smem:$0x0];
	_ =	sdelay $0x2  }
0xbb: {  	s31 =	sshll.u32 s1, $0xD;
	s1 =	sshrl.u32 s1, $0x2  }
0xbc: {  	s3 =	sand.u32 $0x4000, s31;
	s1 =	sadd.s32 s1, s30  }
0xbd: {  	s0 =	sor.u32 s3, s0;
	s1 =	sshll.u32 s1, $0x11  }
0xbe: {  	s0 =	sor.u32 s1, s0  }
0xbf: {  	s0 =	sadd.s32 $0x8F2B, s0  }
0xc0: {  	[sflag:s0] =	ssyncadd.remote.s32 $0x1  }
0xc1: {  	_ =	sfence.sel $0xFFFF  }
0xc2: {  	[dreg:$0x0] =	wrdreg $0xFFFFFFFF;
	(pc) =	sbr.abs _section_cstart, $3  }
0xc3: {  	[dreg:$0x1] =	wrdreg $0xFFFFFFFF  }
0xc4: {  	_ =	task.clear_ibuf [dreg:s9], $0x2FFFF;
	_ =	strace $0x9FFFFFFF  }
0xc5: {  	(tm) =	ssettm $0x7FFFFFFF  }
tec
execute0_lowered:
.L_overlay_start_1:
0x0: {  	(tag) =	ssettag $0x1  }
0x1: {  	s0 =	rddreg [dreg:$0x0];
	s1 =	srdreg.scid  }
0x2: {  	s31 =	stileid.u32;
	s2 =	rddreg [dreg:$0x1];
	s3 =	simm.s32 $0x0  }
0x3: {  	s30 =	simm.s32 $0x2;
	p0 =	por $0x0, $0x0;
	s29 =	simm.s32 $0x3200  }
0x4: {  	[dreg:$0x4] =	wrdreg s0;
	s7 =	sand.u32 $0x1, s1;
	s8 =	sshll.u32 s31, $0x1  }
0x5: {  	s28 =	simm.s32 $0x4588;
	[dreg:$0x5] =	wrdreg s2;
	s1 =	sor.u32 s7, s8  }
0x6: {  	[smem:$0x7FF] =	sst s3;
	s0 =	ssub.s32 $0x2, s7;
	s2 =	smul.u32 $0x4E20, s1  }
0x7: {  	s1 =	rddreg [dreg:$0x2];
	_ =	strace $0x80000047;
	s6 =	sshrl.u32 s0, $0x1  }
0x8: {  	s7 =	sadd.s32 $0x1388, s2;
	s16 =	sadd.s32 $0x9D788, s2;
	s18 =	sadd.s32 $0x139B88, s2  }
0x9: {  	s0 =	ssub.s32 s0, s6;
	s8 =	sadd.s32 $0x1D5F88, s2;
	s22 =	sadd.s32 $0x272388, s2  }
0xa: {  	s4 =	sshrl.u32 s2, $0x3;
	s24 =	sadd.s32 $0x30E788, s2;
	s25 =	sadd.s32 $0x3AAB88, s2  }
0xb: {  	s26 =	sadd.s32 $0x446F88, s2;
	s0 =	smax.u32 s0, $0x1;
	s4 =	sadd.s32 s1, s4  }
0xc: {  	s7 =	sshrl.u32 s7, $0x3;
	s17 =	sshrl.u32 s16, $0x3;
	s20 =	sshrl.u32 s8, $0x3  }
0xd: {  	s23 =	sshrl.u32 s22, $0x3;
	p1 =	sne.s32 s0, $0x1;
	s0 =	sadd.s32 $0xFFFFFFFF, s0  }
0xe: {  	s6 =	sshrl.u32 s24, $0x3;
	s8 =	sshrl.u32 s26, $0x3;
	[dreg:$0x11] =	wrdreg s0  }
0xf: {  	s22 =	sadd.s32 $0x310E98, s2;
	s5 =	sadd.s32 $0x13880, s4;
	s0 =	rddreg [dreg:$0x4]  }
0x10: {  	s26 =	simm.s32 $0x5910;
	s9 =	sadd.s32 $0x27100, s4;
	[dreg:$0x6] =	wrdreg s5  }
0x11: {  	s10 =	sadd.s32 $0x3A980, s4;
	s11 =	sadd.s32 $0x4E200, s4;
	[dreg:$0x7] =	wrdreg s9  }
0x12: {  	s12 =	sadd.s32 $0x61A80, s4;
	s13 =	sadd.s32 $0x75300, s4;
	[dreg:$0x8] =	wrdreg s10  }
0x13: {  	s14 =	sadd.s32 $0x88B80, s4;
	s15 =	sadd.s32 s1, s7;
	[dreg:$0x9] =	wrdreg s11  }
0x14: {  	s7 =	sshrl.u32 s18, $0x3;
	s21 =	sadd.s32 s1, s20;
	[dreg:$0xa] =	wrdreg s12  }
0x15: {  	s6 =	sadd.s32 s1, s6;
	s8 =	sadd.s32 s1, s8;
	[dreg:$0xb] =	wrdreg s13  }
0x16: {  	s16 =	sadd.s32 $0x89062, s4;
	s18 =	sadd.s32 $0x9FE98, s2;
	[dreg:$0xc] =	wrdreg s14  }
0x17: {  	s20 =	sadd.s32 $0x1D8698, s2;
	s22 =	sshrl.u32 s22, $0x3;
	[dreg:$0xd] =	wrdreg s15  }
0x18: {  	s5 =	sadd.s32 s1, s17;
	s19 =	sadd.s32 s1, s7;
	[dreg:$0x10] =	wrdreg s21  }
0x19: {  	s7 =	sshrl.u32 s25, $0x3;
	s9 =	sadd.s32 $0x4E2, s4;
	s10 =	sadd.s32 $0x13D62, s4  }
0x1a: {  	s11 =	sadd.s32 $0x275E2, s4;
	s12 =	sadd.s32 $0x3AE62, s4;
	s13 =	sadd.s32 $0x4E6E2, s4  }
0x1b: {  	s14 =	sadd.s32 $0x61F62, s4;
	s15 =	sadd.s32 $0x757E2, s4;
	s17 =	sadd.s32 $0x3A98, s2  }
0x1c: {  	s18 =	sshrl.u32 s18, $0x3;
	s20 =	sshrl.u32 s20, $0x3;
	s21 =	sadd.s32 $0x274A98, s2  }
0x1d: {  	s22 =	sadd.s32 s1, s22;
	s25 =	simm.s32 $0x6C98;
	[dreg:$0xe] =	wrdreg s5  }
0x1e: {  	[dreg:$0xf] =	wrdreg s19;
	s5 =	sadd.s32 s1, s23;
	s7 =	sadd.s32 s1, s7  }
0x1f: {  	s17 =	sshrl.u32 s17, $0x3;
	s19 =	sadd.s32 $0x13C298, s2;
	s18 =	sadd.s32 s1, s18  }
.Ltmp0:
0x20: {  	s20 =	sadd.s32 s1, s20;
	s21 =	sshrl.u32 s21, $0x3;
	(pc) =	sbr.rel @!p1 .LBB2_5-.Ltmp0, $4  }
0x21: {  	s23 =	sadd.s32 $0x3AD298, s2;
	s2 =	sadd.s32 $0x449698, s2;
	s17 =	sadd.s32 s1, s17  }
0x22: {  	s19 =	sshrl.u32 s19, $0x3;
	s21 =	sadd.s32 s1, s21;
	s23 =	sshrl.u32 s23, $0x3  }
0x23: {  	s2 =	sshrl.u32 s2, $0x3;
	s19 =	sadd.s32 s1, s19;
	s23 =	sadd.s32 s1, s23  }
0x24: {  	s24 =	sadd.s32 s1, s2;
	s1 =	simm.s32 $0x1900;
	s2 =	simm.s32 $0x1  }
0x25: {  	[tilespmem:s3], [sflag:$0x2] =	stream.linear.gather [hbm4b:s0+s3], $0x1900, $0x38;
	[tilespmem:$0x8080] =	vst v63  }
0x26: {  	_ =	swait.ge [sflag:s30], $0x1900  }
0x27: {  	[sflag:s30] =	ssyncset.done $0x0  }
0x28: {  	s31 =	rddreg [dreg:$0x5];
	[sflag:s30] =	ssyncadd.s32 $0xFFFFE700  }
0x29: {  	[tilespmem:s1], [sflag:$0x2] =	stream.linear.gather [hbm4b:s31+s3], $0x1900, $0x38;
	[tilespmem:$0x8080] =	vst v63  }
0x2a: {  	_ =	swait.ge [sflag:s30], $0x1900  }
0x2b: {  	[sflag:s30] =	ssyncset.done $0x0  }
0x2c: {  	[sflag:s30] =	ssyncadd.s32 $0xFFFFE700  }
0x2d: {  	[hbm4b:s4+s3] =	stream.linear.scatter [tilespmem:s29], [sflag:$0x1], $0x1388, $0x38;
	[tilespmem:$0x8080] =	vst v63  }
0x2e: {  	s31 =	rddreg [dreg:$0x6]  }
0x2f: {  	[hbm4b:s31+s3] =	stream.linear.scatter [tilespmem:s29], [sflag:$0x1], $0x1388, $0x38;
	[tilespmem:$0x8080] =	vst v63  }
0x30: {  	s1 =	rddreg [dreg:$0x7]  }
0x31: {  	[hbm4b:s1+s3] =	stream.linear.scatter [tilespmem:s29], [sflag:$0x1], $0x1388, $0x38;
	[tilespmem:$0x8080] =	vst v63  }
0x32: {  	s31 =	rddreg [dreg:$0x8]  }
0x33: {  	[hbm4b:s31+s3] =	stream.linear.scatter [tilespmem:s29], [sflag:$0x1], $0x1388, $0x38;
	[tilespmem:$0x8080] =	vst v63  }
0x34: {  	s1 =	rddreg [dreg:$0x9]  }
0x35: {  	[hbm4b:s1+s3] =	stream.linear.scatter [tilespmem:s29], [sflag:$0x1], $0x1388, $0x38;
	[tilespmem:$0x8080] =	vst v63  }
0x36: {  	s31 =	rddreg [dreg:$0xa]  }
0x37: {  	[hbm4b:s31+s3] =	stream.linear.scatter [tilespmem:s29], [sflag:$0x1], $0x1388, $0x38;
	[tilespmem:$0x8080] =	vst v63  }
0x38: {  	s1 =	rddreg [dreg:$0xb]  }
0x39: {  	[hbm4b:s1+s3] =	stream.linear.scatter [tilespmem:s29], [sflag:$0x1], $0x1388, $0x38;
	[tilespmem:$0x8080] =	vst v63  }
0x3a: {  	s31 =	rddreg [dreg:$0xc]  }
0x3b: {  	[hbm4b:s31+s3] =	stream.linear.scatter [tilespmem:s29], [sflag:$0x1], $0x1388, $0x38;
	[tilespmem:$0x8080] =	vst v63  }
0x3c: {  	s1 =	rddreg [dreg:$0xd]  }
0x3d: {  	[hbm4b:s1+s3] =	stream.linear.scatter [tilespmem:s28], [sflag:$0x1], $0x1388, $0x38;
	[tilespmem:$0x8080] =	vst v63  }
0x3e: {  	s31 =	rddreg [dreg:$0xe]  }
0x3f: {  	[hbm4b:s31+s3] =	stream.linear.scatter [tilespmem:s28], [sflag:$0x1], $0x1388, $0x38;
	[tilespmem:$0x8080] =	vst v63  }
0x40: {  	s1 =	rddreg [dreg:$0xf]  }
0x41: {  	[hbm4b:s1+s3] =	stream.linear.scatter [tilespmem:s28], [sflag:$0x1], $0x1388, $0x38;
	[tilespmem:$0x8080] =	vst v63  }
0x42: {  	s31 =	rddreg [dreg:$0x10]  }
0x43: {  	[hbm4b:s31+s3] =	stream.linear.scatter [tilespmem:s28], [sflag:$0x1], $0x1388, $0x38;
	[tilespmem:$0x8080] =	vst v63  }
0x44: {  	_ = 	snop  }
0x45: {  	[hbm4b:s5+s3] =	stream.linear.scatter [tilespmem:s28], [sflag:$0x1], $0x1388, $0x38;
	[tilespmem:$0x8080] =	vst v63  }
0x46: {  	_ = 	snop  }
0x47: {  	[hbm4b:s6+s3] =	stream.linear.scatter [tilespmem:s28], [sflag:$0x1], $0x1388, $0x38;
	[tilespmem:$0x8080] =	vst v63  }
0x48: {  	_ = 	snop  }
0x49: {  	[hbm4b:s7+s3] =	stream.linear.scatter [tilespmem:s28], [sflag:$0x1], $0x1388, $0x38;
	[tilespmem:$0x8080] =	vst v63  }
0x4a: {  	_ = 	snop  }
0x4b: {  	[hbm4b:s8+s3] =	stream.linear.scatter [tilespmem:s28], [sflag:$0x1], $0x1388, $0x38;
	[tilespmem:$0x8080] =	vst v63  }
0x4c: {  	_ = 	snop  }
0x4d: {  	[hbm4b:s9+s3] =	stream.linear.scatter [tilespmem:s26], [sflag:$0x1], $0x1388, $0x38;
	[tilespmem:$0x8080] =	vst v63  }
0x4e: {  	_ = 	snop  }
0x4f: {  	[hbm4b:s10+s3] =	stream.linear.scatter [tilespmem:s26], [sflag:$0x1], $0x1388, $0x38;
	[tilespmem:$0x8080] =	vst v63  }
0x50: {  	_ = 	snop  }
0x51: {  	[hbm4b:s11+s3] =	stream.linear.scatter [tilespmem:s26], [sflag:$0x1], $0x1388, $0x38;
	[tilespmem:$0x8080] =	vst v63  }
0x52: {  	_ = 	snop  }
0x53: {  	[hbm4b:s12+s3] =	stream.linear.scatter [tilespmem:s26], [sflag:$0x1], $0x1388, $0x38;
	[tilespmem:$0x8080] =	vst v63  }
0x54: {  	_ = 	snop  }
0x55: {  	[hbm4b:s13+s3] =	stream.linear.scatter [tilespmem:s26], [sflag:$0x1], $0x1388, $0x38;
	[tilespmem:$0x8080] =	vst v63  }
0x56: {  	_ = 	snop  }
0x57: {  	[hbm4b:s14+s3] =	stream.linear.scatter [tilespmem:s26], [sflag:$0x1], $0x1388, $0x38;
	[tilespmem:$0x8080] =	vst v63  }
0x58: {  	_ = 	snop  }
0x59: {  	[hbm4b:s15+s3] =	stream.linear.scatter [tilespmem:s26], [sflag:$0x1], $0x1388, $0x38;
	[tilespmem:$0x8080] =	vst v63  }
0x5a: {  	_ = 	snop  }
0x5b: {  	[hbm4b:s16+s3] =	stream.linear.scatter [tilespmem:s26], [sflag:$0x1], $0x1388, $0x38;
	[tilespmem:$0x8080] =	vst v63  }
0x5c: {  	_ = 	snop  }
0x5d: {  	[hbm4b:s17+s3] =	stream.linear.scatter [tilespmem:s25], [sflag:$0x1], $0x1388, $0x38;
	[tilespmem:$0x8080] =	vst v63  }
0x5e: {  	_ = 	snop  }
0x5f: {  	[hbm4b:s18+s3] =	stream.linear.scatter [tilespmem:s25], [sflag:$0x1], $0x1388, $0x38;
	[tilespmem:$0x8080] =	vst v63  }
0x60: {  	_ = 	snop  }
0x61: {  	[hbm4b:s19+s3] =	stream.linear.scatter [tilespmem:s25], [sflag:$0x1], $0x1388, $0x38;
	[tilespmem:$0x8080] =	vst v63  }
0x62: {  	_ = 	snop  }
0x63: {  	[hbm4b:s20+s3] =	stream.linear.scatter [tilespmem:s25], [sflag:$0x1], $0x1388, $0x38;
	[tilespmem:$0x8080] =	vst v63  }
0x64: {  	_ = 	snop  }
0x65: {  	[hbm4b:s21+s3] =	stream.linear.scatter [tilespmem:s25], [sflag:$0x1], $0x1388, $0x38;
	[tilespmem:$0x8080] =	vst v63  }
0x66: {  	_ = 	snop  }
0x67: {  	[hbm4b:s22+s3] =	stream.linear.scatter [tilespmem:s25], [sflag:$0x1], $0x1388, $0x38;
	[tilespmem:$0x8080] =	vst v63  }
0x68: {  	_ = 	snop  }
0x69: {  	[hbm4b:s23+s3] =	stream.linear.scatter [tilespmem:s25], [sflag:$0x1], $0x1388, $0x38;
	[tilespmem:$0x8080] =	vst v63  }
0x6a: {  	_ = 	snop  }
0x6b: {  	[hbm4b:s24+s3] =	stream.linear.scatter [tilespmem:s25], [sflag:$0x1], $0x1388, $0x38;
	[tilespmem:$0x8080] =	vst v63  }
0x6c: {  	_ =	swait.ge [sflag:s2], $0x1388  }
0x6d: {  	[sflag:s2] =	ssyncset.done $0x0  }
0x6e: {  	[sflag:s2] =	ssyncadd.s32 $0xFFFFEC78  }
0x6f: {  	_ =	swait.ge [sflag:s2], $0x1388  }
0x70: {  	[sflag:s2] =	ssyncset.done $0x0  }
0x71: {  	[sflag:s2] =	ssyncadd.s32 $0xFFFFEC78  }
0x72: {  	_ =	swait.ge [sflag:s2], $0x1388  }
0x73: {  	[sflag:s2] =	ssyncset.done $0x0  }
0x74: {  	[sflag:s2] =	ssyncadd.s32 $0xFFFFEC78  }
0x75: {  	_ =	swait.ge [sflag:s2], $0x1388  }
0x76: {  	[sflag:s2] =	ssyncset.done $0x0  }
0x77: {  	[sflag:s2] =	ssyncadd.s32 $0xFFFFEC78  }
0x78: {  	_ =	swait.ge [sflag:s2], $0x1388  }
0x79: {  	[sflag:s2] =	ssyncset.done $0x0  }
0x7a: {  	[sflag:s2] =	ssyncadd.s32 $0xFFFFEC78  }
0x7b: {  	_ =	swait.ge [sflag:s2], $0x1388  }
0x7c: {  	[sflag:s2] =	ssyncset.done $0x0  }
0x7d: {  	[sflag:s2] =	ssyncadd.s32 $0xFFFFEC78  }
0x7e: {  	_ =	swait.ge [sflag:s2], $0x1388  }
0x7f: {  	[sflag:s2] =	ssyncset.done $0x0  }
0x80: {  	[sflag:s2] =	ssyncadd.s32 $0xFFFFEC78  }
0x81: {  	_ =	swait.ge [sflag:s2], $0x1388  }
0x82: {  	[sflag:s2] =	ssyncset.done $0x0  }
0x83: {  	[sflag:s2] =	ssyncadd.s32 $0xFFFFEC78  }
0x84: {  	_ =	swait.ge [sflag:s2], $0x1388  }
0x85: {  	[sflag:s2] =	ssyncset.done $0x0  }
0x86: {  	[sflag:s2] =	ssyncadd.s32 $0xFFFFEC78  }
0x87: {  	_ =	swait.ge [sflag:s2], $0x1388  }
0x88: {  	[sflag:s2] =	ssyncset.done $0x0  }
0x89: {  	[sflag:s2] =	ssyncadd.s32 $0xFFFFEC78  }
0x8a: {  	_ =	swait.ge [sflag:s2], $0x1388  }
0x8b: {  	[sflag:s2] =	ssyncset.done $0x0  }
0x8c: {  	[sflag:s2] =	ssyncadd.s32 $0xFFFFEC78  }
0x8d: {  	_ =	swait.ge [sflag:s2], $0x1388  }
0x8e: {  	[sflag:s2] =	ssyncset.done $0x0  }
0x8f: {  	[sflag:s2] =	ssyncadd.s32 $0xFFFFEC78  }
0x90: {  	_ =	swait.ge [sflag:s2], $0x1388  }
0x91: {  	[sflag:s2] =	ssyncset.done $0x0  }
0x92: {  	[sflag:s2] =	ssyncadd.s32 $0xFFFFEC78  }
0x93: {  	_ =	swait.ge [sflag:s2], $0x1388  }
0x94: {  	[sflag:s2] =	ssyncset.done $0x0  }
0x95: {  	[sflag:s2] =	ssyncadd.s32 $0xFFFFEC78  }
0x96: {  	_ =	swait.ge [sflag:s2], $0x1388  }
0x97: {  	[sflag:s2] =	ssyncset.done $0x0  }
0x98: {  	[sflag:s2] =	ssyncadd.s32 $0xFFFFEC78  }
0x99: {  	_ =	swait.ge [sflag:s2], $0x1388  }
0x9a: {  	[sflag:s2] =	ssyncset.done $0x0  }
0x9b: {  	[sflag:s2] =	ssyncadd.s32 $0xFFFFEC78  }
0x9c: {  	_ =	swait.ge [sflag:s2], $0x1388  }
0x9d: {  	[sflag:s2] =	ssyncset.done $0x0  }
0x9e: {  	[sflag:s2] =	ssyncadd.s32 $0xFFFFEC78  }
0x9f: {  	_ =	swait.ge [sflag:s2], $0x1388  }
0xa0: {  	[sflag:s2] =	ssyncset.done $0x0  }
0xa1: {  	[sflag:s2] =	ssyncadd.s32 $0xFFFFEC78  }
0xa2: {  	_ =	swait.ge [sflag:s2], $0x1388  }
0xa3: {  	[sflag:s2] =	ssyncset.done $0x0  }
0xa4: {  	[sflag:s2] =	ssyncadd.s32 $0xFFFFEC78  }
0xa5: {  	_ =	swait.ge [sflag:s2], $0x1388  }
0xa6: {  	[sflag:s2] =	ssyncset.done $0x0  }
0xa7: {  	[sflag:s2] =	ssyncadd.s32 $0xFFFFEC78  }
0xa8: {  	_ =	swait.ge [sflag:s2], $0x1388  }
0xa9: {  	[sflag:s2] =	ssyncset.done $0x0  }
0xaa: {  	[sflag:s2] =	ssyncadd.s32 $0xFFFFEC78  }
0xab: {  	_ =	swait.ge [sflag:s2], $0x1388  }
0xac: {  	[sflag:s2] =	ssyncset.done $0x0  }
0xad: {  	[sflag:s2] =	ssyncadd.s32 $0xFFFFEC78  }
0xae: {  	_ =	swait.ge [sflag:s2], $0x1388  }
0xaf: {  	[sflag:s2] =	ssyncset.done $0x0  }
0xb0: {  	[sflag:s2] =	ssyncadd.s32 $0xFFFFEC78  }
0xb1: {  	_ =	swait.ge [sflag:s2], $0x1388  }
0xb2: {  	[sflag:s2] =	ssyncset.done $0x0  }
0xb3: {  	[sflag:s2] =	ssyncadd.s32 $0xFFFFEC78  }
0xb4: {  	_ =	swait.ge [sflag:s2], $0x1388  }
0xb5: {  	[sflag:s2] =	ssyncset.done $0x0  }
0xb6: {  	[sflag:s2] =	ssyncadd.s32 $0xFFFFEC78  }
0xb7: {  	_ =	swait.ge [sflag:s2], $0x1388  }
0xb8: {  	[sflag:s2] =	ssyncset.done $0x0  }
0xb9: {  	[sflag:s2] =	ssyncadd.s32 $0xFFFFEC78  }
0xba: {  	_ =	swait.ge [sflag:s2], $0x1388  }
0xbb: {  	[sflag:s2] =	ssyncset.done $0x0  }
0xbc: {  	[sflag:s2] =	ssyncadd.s32 $0xFFFFEC78  }
0xbd: {  	_ =	swait.ge [sflag:s2], $0x1388  }
0xbe: {  	[sflag:s2] =	ssyncset.done $0x0  }
0xbf: {  	[sflag:s2] =	ssyncadd.s32 $0xFFFFEC78  }
0xc0: {  	_ =	swait.ge [sflag:s2], $0x1388  }
0xc1: {  	[sflag:s2] =	ssyncset.done $0x0  }
0xc2: {  	[sflag:s2] =	ssyncadd.s32 $0xFFFFEC78  }
0xc3: {  	_ =	swait.ge [sflag:s2], $0x1388  }
0xc4: {  	[sflag:s2] =	ssyncset.done $0x0  }
0xc5: {  	[sflag:s2] =	ssyncadd.s32 $0xFFFFEC78  }
0xc6: {  	_ =	swait.ge [sflag:s2], $0x1388  }
0xc7: {  	s31 =	rddreg [dreg:$0x11]  }
0xc8: {  	p1 =	sne.s32 s31, $0x1  }
.Ltmp1:
0xc9: {  	_ = 	snop;
	(pc) =	sbr.rel @!p1 .LBB2_2-.Ltmp1, $4  }
0xca: {  	[sflag:s2] =	ssyncset.done $0x0  }
0xcb: {  	[sflag:s2] =	ssyncadd.s32 $0xFFFFEC78  }
0xcc: {  	p0 =	por $0x1, $0x1;
	_ =	swait.ge [sflag:s2], $0x1388  }
0xcd: {  	s1 =	sadd.s32 $0xFFFFFFFF, s31;
	s0 =	rddreg [dreg:$0x4];
	[sflag:s2] =	ssyncset.done $0x0  }
.LBB2_3:
0xce: {  	[sflag:s2] =	ssyncadd.s32 $0xFFFFEC78  }
0xcf: {  	[tilespmem:s3], [sflag:$0x2] =	stream.linear.gather [hbm4b:s0+s3], $0x1900, $0x38;
	[tilespmem:$0x8080] =	vst v63  }
0xd0: {  	_ =	swait.ge [sflag:s30], $0x1900  }
0xd1: {  	[sflag:s30] =	ssyncset.done $0x0  }
0xd2: {  	s31 =	simm.s32 $0x1900;
	s0 =	rddreg [dreg:$0x5];
	[sflag:s30] =	ssyncadd.s32 $0xFFFFE700  }
0xd3: {  	[tilespmem:s31], [sflag:$0x2] =	stream.linear.gather [hbm4b:s0+s3], $0x1900, $0x38;
	[tilespmem:$0x8080] =	vst v63  }
0xd4: {  	_ =	swait.ge [sflag:s30], $0x1900  }
0xd5: {  	[sflag:s30] =	ssyncset.done $0x0  }
0xd6: {  	[sflag:s30] =	ssyncadd.s32 $0xFFFFE700  }
0xd7: {  	[hbm4b:s4+s3] =	stream.linear.scatter [tilespmem:s29], [sflag:$0x1], $0x1388, $0x38;
	[tilespmem:$0x8080] =	vst v63  }
0xd8: {  	s0 =	rddreg [dreg:$0x6]  }
0xd9: {  	[hbm4b:s0+s3] =	stream.linear.scatter [tilespmem:s29], [sflag:$0x1], $0x1388, $0x38;
	[tilespmem:$0x8080] =	vst v63  }
0xda: {  	s31 =	rddreg [dreg:$0x7]  }
0xdb: {  	[hbm4b:s31+s3] =	stream.linear.scatter [tilespmem:s29], [sflag:$0x1], $0x1388, $0x38;
	[tilespmem:$0x8080] =	vst v63  }
0xdc: {  	s0 =	rddreg [dreg:$0x8]  }
0xdd: {  	[hbm4b:s0+s3] =	stream.linear.scatter [tilespmem:s29], [sflag:$0x1], $0x1388, $0x38;
	[tilespmem:$0x8080] =	vst v63  }
0xde: {  	s31 =	rddreg [dreg:$0x9]  }
0xdf: {  	[hbm4b:s31+s3] =	stream.linear.scatter [tilespmem:s29], [sflag:$0x1], $0x1388, $0x38;
	[tilespmem:$0x8080] =	vst v63  }
0xe0: {  	s0 =	rddreg [dreg:$0xa]  }
0xe1: {  	[hbm4b:s0+s3] =	stream.linear.scatter [tilespmem:s29], [sflag:$0x1], $0x1388, $0x38;
	[tilespmem:$0x8080] =	vst v63  }
0xe2: {  	s31 =	rddreg [dreg:$0xb]  }
0xe3: {  	[hbm4b:s31+s3] =	stream.linear.scatter [tilespmem:s29], [sflag:$0x1], $0x1388, $0x38;
	[tilespmem:$0x8080] =	vst v63  }
0xe4: {  	s0 =	rddreg [dreg:$0xc]  }
0xe5: {  	[hbm4b:s0+s3] =	stream.linear.scatter [tilespmem:s29], [sflag:$0x1], $0x1388, $0x38;
	[tilespmem:$0x8080] =	vst v63  }
0xe6: {  	s31 =	rddreg [dreg:$0xd]  }
0xe7: {  	[hbm4b:s31+s3] =	stream.linear.scatter [tilespmem:s28], [sflag:$0x1], $0x1388, $0x38;
	[tilespmem:$0x8080] =	vst v63  }
0xe8: {  	s0 =	rddreg [dreg:$0xe]  }
0xe9: {  	[hbm4b:s0+s3] =	stream.linear.scatter [tilespmem:s28], [sflag:$0x1], $0x1388, $0x38;
	[tilespmem:$0x8080] =	vst v63  }
0xea: {  	s31 =	rddreg [dreg:$0xf]  }
0xeb: {  	[hbm4b:s31+s3] =	stream.linear.scatter [tilespmem:s28], [sflag:$0x1], $0x1388, $0x38;
	[tilespmem:$0x8080] =	vst v63  }
0xec: {  	s0 =	rddreg [dreg:$0x10]  }
0xed: {  	[hbm4b:s0+s3] =	stream.linear.scatter [tilespmem:s28], [sflag:$0x1], $0x1388, $0x38;
	[tilespmem:$0x8080] =	vst v63  }
0xee: {  	_ = 	snop  }
0xef: {  	[hbm4b:s5+s3] =	stream.linear.scatter [tilespmem:s28], [sflag:$0x1], $0x1388, $0x38;
	[tilespmem:$0x8080] =	vst v63  }
0xf0: {  	_ = 	snop  }
0xf1: {  	[hbm4b:s6+s3] =	stream.linear.scatter [tilespmem:s28], [sflag:$0x1], $0x1388, $0x38;
	[tilespmem:$0x8080] =	vst v63  }
0xf2: {  	_ = 	snop  }
0xf3: {  	[hbm4b:s7+s3] =	stream.linear.scatter [tilespmem:s28], [sflag:$0x1], $0x1388, $0x38;
	[tilespmem:$0x8080] =	vst v63  }
0xf4: {  	_ = 	snop  }
0xf5: {  	[hbm4b:s8+s3] =	stream.linear.scatter [tilespmem:s28], [sflag:$0x1], $0x1388, $0x38;
	[tilespmem:$0x8080] =	vst v63  }
0xf6: {  	_ = 	snop  }
0xf7: {  	[hbm4b:s9+s3] =	stream.linear.scatter [tilespmem:s26], [sflag:$0x1], $0x1388, $0x38;
	[tilespmem:$0x8080] =	vst v63  }
0xf8: {  	_ = 	snop  }
0xf9: {  	[hbm4b:s10+s3] =	stream.linear.scatter [tilespmem:s26], [sflag:$0x1], $0x1388, $0x38;
	[tilespmem:$0x8080] =	vst v63  }
0xfa: {  	_ = 	snop  }
0xfb: {  	[hbm4b:s11+s3] =	stream.linear.scatter [tilespmem:s26], [sflag:$0x1], $0x1388, $0x38;
	[tilespmem:$0x8080] =	vst v63  }
0xfc: {  	_ = 	snop  }
0xfd: {  	[hbm4b:s12+s3] =	stream.linear.scatter [tilespmem:s26], [sflag:$0x1], $0x1388, $0x38;
	[tilespmem:$0x8080] =	vst v63  }
0xfe: {  	_ = 	snop  }
0xff: {  	[hbm4b:s13+s3] =	stream.linear.scatter [tilespmem:s26], [sflag:$0x1], $0x1388, $0x38;
	[tilespmem:$0x8080] =	vst v63  }
0x100: {  	_ = 	snop  }
0x101: {  	[hbm4b:s14+s3] =	stream.linear.scatter [tilespmem:s26], [sflag:$0x1], $0x1388, $0x38;
	[tilespmem:$0x8080] =	vst v63  }
0x102: {  	_ = 	snop  }
0x103: {  	[hbm4b:s15+s3] =	stream.linear.scatter [tilespmem:s26], [sflag:$0x1], $0x1388, $0x38;
	[tilespmem:$0x8080] =	vst v63  }
0x104: {  	_ = 	snop  }
0x105: {  	[hbm4b:s16+s3] =	stream.linear.scatter [tilespmem:s26], [sflag:$0x1], $0x1388, $0x38;
	[tilespmem:$0x8080] =	vst v63  }
0x106: {  	_ = 	snop  }
0x107: {  	[hbm4b:s17+s3] =	stream.linear.scatter [tilespmem:s25], [sflag:$0x1], $0x1388, $0x38;
	[tilespmem:$0x8080] =	vst v63  }
0x108: {  	_ = 	snop  }
0x109: {  	[hbm4b:s18+s3] =	stream.linear.scatter [tilespmem:s25], [sflag:$0x1], $0x1388, $0x38;
	[tilespmem:$0x8080] =	vst v63  }
0x10a: {  	_ = 	snop  }
0x10b: {  	[hbm4b:s19+s3] =	stream.linear.scatter [tilespmem:s25], [sflag:$0x1], $0x1388, $0x38;
	[tilespmem:$0x8080] =	vst v63  }
0x10c: {  	_ = 	snop  }
0x10d: {  	[hbm4b:s20+s3] =	stream.linear.scatter [tilespmem:s25], [sflag:$0x1], $0x1388, $0x38;
	[tilespmem:$0x8080] =	vst v63  }
0x10e: {  	_ = 	snop  }
0x10f: {  	[hbm4b:s21+s3] =	stream.linear.scatter [tilespmem:s25], [sflag:$0x1], $0x1388, $0x38;
	[tilespmem:$0x8080] =	vst v63  }
0x110: {  	_ = 	snop  }
0x111: {  	[hbm4b:s22+s3] =	stream.linear.scatter [tilespmem:s25], [sflag:$0x1], $0x1388, $0x38;
	[tilespmem:$0x8080] =	vst v63  }
0x112: {  	_ = 	snop  }
0x113: {  	[hbm4b:s23+s3] =	stream.linear.scatter [tilespmem:s25], [sflag:$0x1], $0x1388, $0x38;
	[tilespmem:$0x8080] =	vst v63  }
0x114: {  	_ = 	snop  }
0x115: {  	[hbm4b:s24+s3] =	stream.linear.scatter [tilespmem:s25], [sflag:$0x1], $0x1388, $0x38;
	[tilespmem:$0x8080] =	vst v63  }
0x116: {  	_ =	swait.ge [sflag:s2], $0x1388  }
0x117: {  	[sflag:s2] =	ssyncset.done $0x0  }
0x118: {  	[sflag:s2] =	ssyncadd.s32 $0xFFFFEC78  }
0x119: {  	_ =	swait.ge [sflag:s2], $0x1388  }
0x11a: {  	[sflag:s2] =	ssyncset.done $0x0  }
0x11b: {  	[sflag:s2] =	ssyncadd.s32 $0xFFFFEC78  }
0x11c: {  	_ =	swait.ge [sflag:s2], $0x1388  }
0x11d: {  	[sflag:s2] =	ssyncset.done $0x0  }
0x11e: {  	[sflag:s2] =	ssyncadd.s32 $0xFFFFEC78  }
0x11f: {  	_ =	swait.ge [sflag:s2], $0x1388  }
0x120: {  	[sflag:s2] =	ssyncset.done $0x0  }
0x121: {  	[sflag:s2] =	ssyncadd.s32 $0xFFFFEC78  }
0x122: {  	_ =	swait.ge [sflag:s2], $0x1388  }
0x123: {  	[sflag:s2] =	ssyncset.done $0x0  }
0x124: {  	[sflag:s2] =	ssyncadd.s32 $0xFFFFEC78  }
0x125: {  	_ =	swait.ge [sflag:s2], $0x1388  }
0x126: {  	[sflag:s2] =	ssyncset.done $0x0  }
0x127: {  	[sflag:s2] =	ssyncadd.s32 $0xFFFFEC78  }
0x128: {  	_ =	swait.ge [sflag:s2], $0x1388  }
0x129: {  	[sflag:s2] =	ssyncset.done $0x0  }
0x12a: {  	[sflag:s2] =	ssyncadd.s32 $0xFFFFEC78  }
0x12b: {  	_ =	swait.ge [sflag:s2], $0x1388  }
0x12c: {  	[sflag:s2] =	ssyncset.done $0x0  }
0x12d: {  	[sflag:s2] =	ssyncadd.s32 $0xFFFFEC78  }
0x12e: {  	_ =	swait.ge [sflag:s2], $0x1388  }
0x12f: {  	[sflag:s2] =	ssyncset.done $0x0  }
0x130: {  	[sflag:s2] =	ssyncadd.s32 $0xFFFFEC78  }
0x131: {  	_ =	swait.ge [sflag:s2], $0x1388  }
0x132: {  	[sflag:s2] =	ssyncset.done $0x0  }
0x133: {  	[sflag:s2] =	ssyncadd.s32 $0xFFFFEC78  }
0x134: {  	_ =	swait.ge [sflag:s2], $0x1388  }
0x135: {  	[sflag:s2] =	ssyncset.done $0x0  }
0x136: {  	[sflag:s2] =	ssyncadd.s32 $0xFFFFEC78  }
0x137: {  	_ =	swait.ge [sflag:s2], $0x1388  }
0x138: {  	[sflag:s2] =	ssyncset.done $0x0  }
0x139: {  	[sflag:s2] =	ssyncadd.s32 $0xFFFFEC78  }
0x13a: {  	_ =	swait.ge [sflag:s2], $0x1388  }
0x13b: {  	[sflag:s2] =	ssyncset.done $0x0  }
0x13c: {  	[sflag:s2] =	ssyncadd.s32 $0xFFFFEC78  }
0x13d: {  	_ =	swait.ge [sflag:s2], $0x1388  }
0x13e: {  	[sflag:s2] =	ssyncset.done $0x0  }
0x13f: {  	[sflag:s2] =	ssyncadd.s32 $0xFFFFEC78  }
0x140: {  	_ =	swait.ge [sflag:s2], $0x1388  }
0x141: {  	[sflag:s2] =	ssyncset.done $0x0  }
0x142: {  	[sflag:s2] =	ssyncadd.s32 $0xFFFFEC78  }
0x143: {  	_ =	swait.ge [sflag:s2], $0x1388  }
0x144: {  	[sflag:s2] =	ssyncset.done $0x0  }
0x145: {  	[sflag:s2] =	ssyncadd.s32 $0xFFFFEC78  }
0x146: {  	_ =	swait.ge [sflag:s2], $0x1388  }
0x147: {  	[sflag:s2] =	ssyncset.done $0x0  }
0x148: {  	[sflag:s2] =	ssyncadd.s32 $0xFFFFEC78  }
0x149: {  	_ =	swait.ge [sflag:s2], $0x1388  }
0x14a: {  	[sflag:s2] =	ssyncset.done $0x0  }
0x14b: {  	[sflag:s2] =	ssyncadd.s32 $0xFFFFEC78  }
0x14c: {  	_ =	swait.ge [sflag:s2], $0x1388  }
0x14d: {  	[sflag:s2] =	ssyncset.done $0x0  }
0x14e: {  	[sflag:s2] =	ssyncadd.s32 $0xFFFFEC78  }
0x14f: {  	_ =	swait.ge [sflag:s2], $0x1388  }
0x150: {  	[sflag:s2] =	ssyncset.done $0x0  }
0x151: {  	[sflag:s2] =	ssyncadd.s32 $0xFFFFEC78  }
0x152: {  	_ =	swait.ge [sflag:s2], $0x1388  }
0x153: {  	[sflag:s2] =	ssyncset.done $0x0  }
0x154: {  	[sflag:s2] =	ssyncadd.s32 $0xFFFFEC78  }
0x155: {  	_ =	swait.ge [sflag:s2], $0x1388  }
0x156: {  	[sflag:s2] =	ssyncset.done $0x0  }
0x157: {  	[sflag:s2] =	ssyncadd.s32 $0xFFFFEC78  }
0x158: {  	_ =	swait.ge [sflag:s2], $0x1388  }
0x159: {  	[sflag:s2] =	ssyncset.done $0x0  }
0x15a: {  	[sflag:s2] =	ssyncadd.s32 $0xFFFFEC78  }
0x15b: {  	_ =	swait.ge [sflag:s2], $0x1388  }
0x15c: {  	[sflag:s2] =	ssyncset.done $0x0  }
0x15d: {  	[sflag:s2] =	ssyncadd.s32 $0xFFFFEC78  }
0x15e: {  	_ =	swait.ge [sflag:s2], $0x1388  }
0x15f: {  	[sflag:s2] =	ssyncset.done $0x0  }
0x160: {  	[sflag:s2] =	ssyncadd.s32 $0xFFFFEC78  }
0x161: {  	_ =	swait.ge [sflag:s2], $0x1388  }
0x162: {  	[sflag:s2] =	ssyncset.done $0x0  }
0x163: {  	[sflag:s2] =	ssyncadd.s32 $0xFFFFEC78  }
0x164: {  	_ =	swait.ge [sflag:s2], $0x1388  }
0x165: {  	[sflag:s2] =	ssyncset.done $0x0  }
0x166: {  	[sflag:s2] =	ssyncadd.s32 $0xFFFFEC78  }
0x167: {  	_ =	swait.ge [sflag:s2], $0x1388  }
0x168: {  	[sflag:s2] =	ssyncset.done $0x0  }
0x169: {  	[sflag:s2] =	ssyncadd.s32 $0xFFFFEC78  }
0x16a: {  	_ =	swait.ge [sflag:s2], $0x1388  }
0x16b: {  	[sflag:s2] =	ssyncset.done $0x0  }
0x16c: {  	[sflag:s2] =	ssyncadd.s32 $0xFFFFEC78  }
0x16d: {  	_ =	swait.ge [sflag:s2], $0x1388  }
0x16e: {  	[sflag:s2] =	ssyncset.done $0x0  }
0x16f: {  	p1 =	sne.s32 s1, $0x1;
	[sflag:s2] =	ssyncadd.s32 $0xFFFFEC78  }
.Ltmp2:
0x170: {  	_ =	swait.ge [sflag:s2], $0x1388;
	(pc) =	sbr.rel @p1 .LBB2_3-.Ltmp2, $4  }
0x171: {  	[sflag:s2] =	ssyncset.done $0x0  }
0x172: {  	[sflag:s2] =	ssyncadd.s32 $0xFFFFEC78  }
0x173: {  	_ =	swait.ge [sflag:s2], $0x1388  }
0x174: {  	s1 =	sadd.s32 $0xFFFFFFFF, s1;
	s0 =	rddreg [dreg:$0x4];
	[sflag:s2] =	ssyncset.done $0x0  }
0x175: {  	s31 =	stileid.u32;
	s1 =	simm.s32 $0x1900  }
.LBB2_5:
0x176: {  	[sflag:s2] =	ssyncadd.s32 @p0 $0xFFFFEC78  }
0x177: {  	[tilespmem:s3], [sflag:$0x2] =	stream.linear.gather [hbm4b:s0+s3], $0x1900, $0x38;
	[tilespmem:$0x8080] =	vst v63  }
0x178: {  	_ =	swait.ge [sflag:s30], $0x1900  }
0x179: {  	[sflag:s30] =	ssyncset.done $0x0  }
0x17a: {  	s0 =	rddreg [dreg:$0x5];
	[sflag:s30] =	ssyncadd.s32 $0xFFFFE700  }
0x17b: {  	[tilespmem:s1], [sflag:$0x2] =	stream.linear.gather [hbm4b:s0+s3], $0x1900, $0x38;
	[tilespmem:$0x8080] =	vst v63  }
0x17c: {  	_ =	swait.ge [sflag:s30], $0x1900  }
0x17d: {  	[sflag:s30] =	ssyncset.done $0x0  }
0x17e: {  	[sflag:s30] =	ssyncadd.s32 $0xFFFFE700  }
0x17f: {  	[hbm4b:s4+s3] =	stream.linear.scatter [tilespmem:s29], [sflag:$0x1], $0x1388, $0x38;
	[tilespmem:$0x8080] =	vst v63  }
0x180: {  	s1 =	rddreg [dreg:$0x6]  }
0x181: {  	[hbm4b:s1+s3] =	stream.linear.scatter [tilespmem:s29], [sflag:$0x1], $0x1388, $0x38;
	[tilespmem:$0x8080] =	vst v63  }
0x182: {  	s30 =	rddreg [dreg:$0x7]  }
0x183: {  	[hbm4b:s30+s3] =	stream.linear.scatter [tilespmem:s29], [sflag:$0x1], $0x1388, $0x38;
	[tilespmem:$0x8080] =	vst v63  }
0x184: {  	s4 =	rddreg [dreg:$0x8]  }
0x185: {  	[hbm4b:s4+s3] =	stream.linear.scatter [tilespmem:s29], [sflag:$0x1], $0x1388, $0x38;
	[tilespmem:$0x8080] =	vst v63  }
0x186: {  	s30 =	rddreg [dreg:$0x9]  }
0x187: {  	[hbm4b:s30+s3] =	stream.linear.scatter [tilespmem:s29], [sflag:$0x1], $0x1388, $0x38;
	[tilespmem:$0x8080] =	vst v63  }
0x188: {  	s4 =	rddreg [dreg:$0xa]  }
0x189: {  	[hbm4b:s4+s3] =	stream.linear.scatter [tilespmem:s29], [sflag:$0x1], $0x1388, $0x38;
	[tilespmem:$0x8080] =	vst v63  }
0x18a: {  	s30 =	rddreg [dreg:$0xb]  }
0x18b: {  	[hbm4b:s30+s3] =	stream.linear.scatter [tilespmem:s29], [sflag:$0x1], $0x1388, $0x38;
	[tilespmem:$0x8080] =	vst v63  }
0x18c: {  	s4 =	rddreg [dreg:$0xc]  }
0x18d: {  	[hbm4b:s4+s3] =	stream.linear.scatter [tilespmem:s29], [sflag:$0x1], $0x1388, $0x38;
	[tilespmem:$0x8080] =	vst v63  }
0x18e: {  	s30 =	rddreg [dreg:$0xd]  }
0x18f: {  	[hbm4b:s30+s3] =	stream.linear.scatter [tilespmem:s28], [sflag:$0x1], $0x1388, $0x38;
	[tilespmem:$0x8080] =	vst v63  }
0x190: {  	s4 =	rddreg [dreg:$0xe]  }
0x191: {  	[hbm4b:s4+s3] =	stream.linear.scatter [tilespmem:s28], [sflag:$0x1], $0x1388, $0x38;
	[tilespmem:$0x8080] =	vst v63  }
0x192: {  	s29 =	rddreg [dreg:$0xf]  }
0x193: {  	[hbm4b:s29+s3] =	stream.linear.scatter [tilespmem:s28], [sflag:$0x1], $0x1388, $0x38;
	[tilespmem:$0x8080] =	vst v63  }
0x194: {  	s30 =	rddreg [dreg:$0x10]  }
0x195: {  	[hbm4b:s30+s3] =	stream.linear.scatter [tilespmem:s28], [sflag:$0x1], $0x1388, $0x38;
	[tilespmem:$0x8080] =	vst v63  }
0x196: {  	_ = 	snop  }
0x197: {  	[hbm4b:s5+s3] =	stream.linear.scatter [tilespmem:s28], [sflag:$0x1], $0x1388, $0x38;
	[tilespmem:$0x8080] =	vst v63  }
0x198: {  	_ = 	snop  }
0x199: {  	[hbm4b:s6+s3] =	stream.linear.scatter [tilespmem:s28], [sflag:$0x1], $0x1388, $0x38;
	[tilespmem:$0x8080] =	vst v63  }
0x19a: {  	_ = 	snop  }
0x19b: {  	[hbm4b:s7+s3] =	stream.linear.scatter [tilespmem:s28], [sflag:$0x1], $0x1388, $0x38;
	[tilespmem:$0x8080] =	vst v63  }
0x19c: {  	_ = 	snop  }
0x19d: {  	[hbm4b:s8+s3] =	stream.linear.scatter [tilespmem:s28], [sflag:$0x1], $0x1388, $0x38;
	[tilespmem:$0x8080] =	vst v63  }
0x19e: {  	_ = 	snop  }
0x19f: {  	[hbm4b:s9+s3] =	stream.linear.scatter [tilespmem:s26], [sflag:$0x1], $0x1388, $0x38;
	[tilespmem:$0x8080] =	vst v63  }
0x1a0: {  	_ = 	snop  }
0x1a1: {  	[hbm4b:s10+s3] =	stream.linear.scatter [tilespmem:s26], [sflag:$0x1], $0x1388, $0x38;
	[tilespmem:$0x8080] =	vst v63  }
0x1a2: {  	_ = 	snop  }
0x1a3: {  	[hbm4b:s11+s3] =	stream.linear.scatter [tilespmem:s26], [sflag:$0x1], $0x1388, $0x38;
	[tilespmem:$0x8080] =	vst v63  }
0x1a4: {  	_ = 	snop  }
0x1a5: {  	[hbm4b:s12+s3] =	stream.linear.scatter [tilespmem:s26], [sflag:$0x1], $0x1388, $0x38;
	[tilespmem:$0x8080] =	vst v63  }
0x1a6: {  	_ = 	snop  }
0x1a7: {  	[hbm4b:s13+s3] =	stream.linear.scatter [tilespmem:s26], [sflag:$0x1], $0x1388, $0x38;
	[tilespmem:$0x8080] =	vst v63  }
0x1a8: {  	_ = 	snop  }
0x1a9: {  	[hbm4b:s14+s3] =	stream.linear.scatter [tilespmem:s26], [sflag:$0x1], $0x1388, $0x38;
	[tilespmem:$0x8080] =	vst v63  }
0x1aa: {  	_ = 	snop  }
0x1ab: {  	[hbm4b:s15+s3] =	stream.linear.scatter [tilespmem:s26], [sflag:$0x1], $0x1388, $0x38;
	[tilespmem:$0x8080] =	vst v63  }
0x1ac: {  	_ = 	snop  }
0x1ad: {  	[hbm4b:s16+s3] =	stream.linear.scatter [tilespmem:s26], [sflag:$0x1], $0x1388, $0x38;
	[tilespmem:$0x8080] =	vst v63  }
0x1ae: {  	_ = 	snop  }
0x1af: {  	[hbm4b:s17+s3] =	stream.linear.scatter [tilespmem:s25], [sflag:$0x1], $0x1388, $0x38;
	[tilespmem:$0x8080] =	vst v63  }
0x1b0: {  	_ = 	snop  }
0x1b1: {  	[hbm4b:s18+s3] =	stream.linear.scatter [tilespmem:s25], [sflag:$0x1], $0x1388, $0x38;
	[tilespmem:$0x8080] =	vst v63  }
0x1b2: {  	_ = 	snop  }
0x1b3: {  	[hbm4b:s19+s3] =	stream.linear.scatter [tilespmem:s25], [sflag:$0x1], $0x1388, $0x38;
	[tilespmem:$0x8080] =	vst v63  }
0x1b4: {  	_ = 	snop  }
0x1b5: {  	[hbm4b:s20+s3] =	stream.linear.scatter [tilespmem:s25], [sflag:$0x1], $0x1388, $0x38;
	[tilespmem:$0x8080] =	vst v63  }
0x1b6: {  	_ = 	snop  }
0x1b7: {  	[hbm4b:s21+s3] =	stream.linear.scatter [tilespmem:s25], [sflag:$0x1], $0x1388, $0x38;
	[tilespmem:$0x8080] =	vst v63  }
0x1b8: {  	_ = 	snop  }
0x1b9: {  	[hbm4b:s22+s3] =	stream.linear.scatter [tilespmem:s25], [sflag:$0x1], $0x1388, $0x38;
	[tilespmem:$0x8080] =	vst v63  }
0x1ba: {  	_ = 	snop  }
0x1bb: {  	[hbm4b:s23+s3] =	stream.linear.scatter [tilespmem:s25], [sflag:$0x1], $0x1388, $0x38;
	[tilespmem:$0x8080] =	vst v63  }
0x1bc: {  	_ = 	snop  }
0x1bd: {  	[hbm4b:s24+s3] =	stream.linear.scatter [tilespmem:s25], [sflag:$0x1], $0x1388, $0x38;
	[tilespmem:$0x8080] =	vst v63  }
0x1be: {  	_ =	swait.ge [sflag:s2], $0x1388  }
0x1bf: {  	[sflag:s2] =	ssyncset.done $0x0  }
0x1c0: {  	[sflag:s2] =	ssyncadd.s32 $0xFFFFEC78  }
0x1c1: {  	_ =	swait.ge [sflag:s2], $0x1388  }
0x1c2: {  	[sflag:s2] =	ssyncset.done $0x0  }
0x1c3: {  	[sflag:s2] =	ssyncadd.s32 $0xFFFFEC78  }
0x1c4: {  	_ =	swait.ge [sflag:s2], $0x1388  }
0x1c5: {  	[sflag:s2] =	ssyncset.done $0x0  }
0x1c6: {  	[sflag:s2] =	ssyncadd.s32 $0xFFFFEC78  }
0x1c7: {  	_ =	swait.ge [sflag:s2], $0x1388  }
0x1c8: {  	[sflag:s2] =	ssyncset.done $0x0  }
0x1c9: {  	[sflag:s2] =	ssyncadd.s32 $0xFFFFEC78  }
0x1ca: {  	_ =	swait.ge [sflag:s2], $0x1388  }
0x1cb: {  	[sflag:s2] =	ssyncset.done $0x0  }
0x1cc: {  	[sflag:s2] =	ssyncadd.s32 $0xFFFFEC78  }
0x1cd: {  	_ =	swait.ge [sflag:s2], $0x1388  }
0x1ce: {  	[sflag:s2] =	ssyncset.done $0x0  }
0x1cf: {  	[sflag:s2] =	ssyncadd.s32 $0xFFFFEC78  }
0x1d0: {  	_ =	swait.ge [sflag:s2], $0x1388  }
0x1d1: {  	[sflag:s2] =	ssyncset.done $0x0  }
0x1d2: {  	[sflag:s2] =	ssyncadd.s32 $0xFFFFEC78  }
0x1d3: {  	_ =	swait.ge [sflag:s2], $0x1388  }
0x1d4: {  	[sflag:s2] =	ssyncset.done $0x0  }
0x1d5: {  	[sflag:s2] =	ssyncadd.s32 $0xFFFFEC78  }
0x1d6: {  	_ =	swait.ge [sflag:s2], $0x1388  }
0x1d7: {  	[sflag:s2] =	ssyncset.done $0x0  }
0x1d8: {  	[sflag:s2] =	ssyncadd.s32 $0xFFFFEC78  }
0x1d9: {  	_ =	swait.ge [sflag:s2], $0x1388  }
0x1da: {  	[sflag:s2] =	ssyncset.done $0x0  }
0x1db: {  	[sflag:s2] =	ssyncadd.s32 $0xFFFFEC78  }
0x1dc: {  	_ =	swait.ge [sflag:s2], $0x1388  }
0x1dd: {  	[sflag:s2] =	ssyncset.done $0x0  }
0x1de: {  	[sflag:s2] =	ssyncadd.s32 $0xFFFFEC78  }
0x1df: {  	_ =	swait.ge [sflag:s2], $0x1388  }
0x1e0: {  	[sflag:s2] =	ssyncset.done $0x0  }
0x1e1: {  	[sflag:s2] =	ssyncadd.s32 $0xFFFFEC78  }
0x1e2: {  	_ =	swait.ge [sflag:s2], $0x1388  }
0x1e3: {  	[sflag:s2] =	ssyncset.done $0x0  }
0x1e4: {  	[sflag:s2] =	ssyncadd.s32 $0xFFFFEC78  }
0x1e5: {  	_ =	swait.ge [sflag:s2], $0x1388  }
0x1e6: {  	[sflag:s2] =	ssyncset.done $0x0  }
0x1e7: {  	[sflag:s2] =	ssyncadd.s32 $0xFFFFEC78  }
0x1e8: {  	_ =	swait.ge [sflag:s2], $0x1388  }
0x1e9: {  	[sflag:s2] =	ssyncset.done $0x0  }
0x1ea: {  	[sflag:s2] =	ssyncadd.s32 $0xFFFFEC78  }
0x1eb: {  	_ =	swait.ge [sflag:s2], $0x1388  }
0x1ec: {  	[sflag:s2] =	ssyncset.done $0x0  }
0x1ed: {  	[sflag:s2] =	ssyncadd.s32 $0xFFFFEC78  }
0x1ee: {  	_ =	swait.ge [sflag:s2], $0x1388  }
0x1ef: {  	[sflag:s2] =	ssyncset.done $0x0  }
0x1f0: {  	[sflag:s2] =	ssyncadd.s32 $0xFFFFEC78  }
0x1f1: {  	_ =	swait.ge [sflag:s2], $0x1388  }
0x1f2: {  	[sflag:s2] =	ssyncset.done $0x0  }
0x1f3: {  	[sflag:s2] =	ssyncadd.s32 $0xFFFFEC78  }
0x1f4: {  	_ =	swait.ge [sflag:s2], $0x1388  }
0x1f5: {  	[sflag:s2] =	ssyncset.done $0x0  }
0x1f6: {  	[sflag:s2] =	ssyncadd.s32 $0xFFFFEC78  }
0x1f7: {  	_ =	swait.ge [sflag:s2], $0x1388  }
0x1f8: {  	[sflag:s2] =	ssyncset.done $0x0  }
0x1f9: {  	[sflag:s2] =	ssyncadd.s32 $0xFFFFEC78  }
0x1fa: {  	_ =	swait.ge [sflag:s2], $0x1388  }
0x1fb: {  	[sflag:s2] =	ssyncset.done $0x0  }
0x1fc: {  	[sflag:s2] =	ssyncadd.s32 $0xFFFFEC78  }
0x1fd: {  	_ =	swait.ge [sflag:s2], $0x1388  }
0x1fe: {  	[sflag:s2] =	ssyncset.done $0x0  }
0x1ff: {  	[sflag:s2] =	ssyncadd.s32 $0xFFFFEC78  }
0x200: {  	_ =	swait.ge [sflag:s2], $0x1388  }
0x201: {  	[sflag:s2] =	ssyncset.done $0x0  }
0x202: {  	[sflag:s2] =	ssyncadd.s32 $0xFFFFEC78  }
0x203: {  	_ =	swait.ge [sflag:s2], $0x1388  }
0x204: {  	[sflag:s2] =	ssyncset.done $0x0  }
0x205: {  	[sflag:s2] =	ssyncadd.s32 $0xFFFFEC78  }
0x206: {  	_ =	swait.ge [sflag:s2], $0x1388  }
0x207: {  	[sflag:s2] =	ssyncset.done $0x0  }
0x208: {  	[sflag:s2] =	ssyncadd.s32 $0xFFFFEC78  }
0x209: {  	_ =	swait.ge [sflag:s2], $0x1388  }
0x20a: {  	[sflag:s2] =	ssyncset.done $0x0  }
0x20b: {  	[sflag:s2] =	ssyncadd.s32 $0xFFFFEC78  }
0x20c: {  	_ =	swait.ge [sflag:s2], $0x1388  }
0x20d: {  	[sflag:s2] =	ssyncset.done $0x0  }
0x20e: {  	[sflag:s2] =	ssyncadd.s32 $0xFFFFEC78  }
0x20f: {  	_ =	swait.ge [sflag:s2], $0x1388  }
0x210: {  	[sflag:s2] =	ssyncset.done $0x0  }
0x211: {  	[sflag:s2] =	ssyncadd.s32 $0xFFFFEC78  }
0x212: {  	_ =	swait.ge [sflag:s2], $0x1388  }
0x213: {  	[sflag:s2] =	ssyncset.done $0x0  }
0x214: {  	[sflag:s2] =	ssyncadd.s32 $0xFFFFEC78  }
0x215: {  	_ =	swait.ge [sflag:s2], $0x1388  }
0x216: {  	[sflag:s2] =	ssyncset.done $0x0  }
0x217: {  	[sflag:s2] =	ssyncadd.s32 $0xFFFFEC78  }
0x218: {  	_ =	swait.ge [sflag:s2], $0x1388  }
0x219: {  	[sflag:s2] =	ssyncset.done $0x0  }
0x21a: {  	[sflag:s2] =	ssyncadd.s32 $0xFFFFEC78  }
0x21b: {  	_ =	swait.ge [sflag:s2], $0x1388  }
0x21c: {  	[sflag:s2] =	ssyncset.done $0x0  }
0x21d: {  	[sflag:s2] =	ssyncadd.s32 $0xFFFFEC78  }
0x21e: {  	_ =	sfence.sel $0x180000  }
0x21f: {  	[bflag:$0x0] =	sbarrier.arrive $0xFFFF  }
0x220: {  	_ =	strace $0x90000047  }
0x221: {  	[bflag:$0x2] =	sbarrier.arrive $0xFFFF  }
0x222: {  	p0 =	sne.s32 s31, $0x0;
	s0 =	rddreg [dreg:$0x3]  }
0x223: {  	s0 =	sadd.s32 @!p0 $0x100000, s0  }
0x224: {  	[sflag:s0] =	ssyncadd.tile.s32 @!p0 $0x1;
	_ =	shalt  }
.LBB2_2:
.Ltmp3:
0x225: {  	(pc) =	sbr.rel .LBB2_5-.Ltmp3, $2  }
0x226: {  	_ =	sdelay $0x2  }
0x227: {  	s31 =	stileid.u32;
	s1 =	simm.s32 $0x1900  }
.Lfunc_end2:
_tile_overlayer_lowered:
.L_overlay_start_2:
0x228: {  	(tag) =	ssettag $0x2  }
0x229: {  	s0 =	rddreg [dreg:$0x0];
	s2 =	stileid.u32  }
0x22a: {  	s1 =	rddreg [dreg:$0x1];
	p0 =	sne.s32 s2, $0x0  }
0x22b: {  	s3 =	rddreg [dreg:$0x2];
	[bflag:$0x3] =	sbarrier.arrive $0xFFFF;
	s2 =	simm.s32 @!p0 $0x1C02  }
0x22c: {  	[timem:s3], [sflag:s2] =	dma.local @!p0 [hbm:s0], s1  }
0x22d: {  	s0 =	simm.s32 @!p0 $0x2  }
0x22e: {  	_ =	swait.ge @!p0 [sflag:s0], s1  }
0x22f: {  	s1 =	ssub.s32 @!p0 $0x0, s1;
	[sflag:s0] =	ssyncset.done @!p0 $0x0  }
0x230: {  	[sflag:s0] =	ssyncadd.s32 @!p0 s1  }
0x231: {  	[bflag:$0x3] =	sbarrier.arrive $0xFFFF  }
0x232: {  	_ =	shalt  }

</sc_bundles>
